<compile_context>
chip_gen: v7x
topology: tpu7x:2x2x1
jax: 0.10.2.dev20260603
libtpu: 0.0.44.dev20260713+nightly
codegen_flags: <defaults>
</compile_context>

<pallas_src>
import jax
import jax.numpy as jnp
from jax import lax
from jax.experimental import pallas as pl
from jax.experimental.pallas import tpu as pltpu
from jax.experimental.pallas import tpu_sc as plsc

B = 1024
L = 200
D = 64
N = B * L
NC = 2
NS = 16
NW = NC * NS
TOK_PER_W = N // NW
CHUNK = 640
GG = 128
NGG = CHUNK // GG
NCHUNK = TOK_PER_W // CHUNK
NGRP = CHUNK // 16
EPS = 1e-12


def _tec_body(idx2d, seg2d, emb, segtab, pos, gb, out,
              idx_v, seg_v, rows, comb, pos_v, segt_v, gb_v, sem):
    wid = lax.axis_index("s") * NC + lax.axis_index("c")

    pltpu.sync_copy(pos.at[pl.ds(0, L)], pos_v)
    pltpu.sync_copy(segtab, segt_v)
    pltpu.sync_copy(gb, gb_v)

    def build_comb(l, c):
        for j in range(4):
            p = pos_v[l, pl.ds(j * 16, 16)]
            comb[pl.ds(l * 128 + j * 16, 16)] = p + segt_v[0, pl.ds(j * 16, 16)]
            comb[pl.ds(l * 128 + 64 + j * 16, 16)] = p + segt_v[1, pl.ds(j * 16, 16)]
        return c
    lax.fori_loop(0, L, build_comb, 0)

    iota16 = lax.iota(jnp.int32, 16)
    zeros = jnp.zeros((16,), jnp.float32)

    def chunk_body(c, carry):
        t0 = wid * TOK_PER_W + c * CHUNK
        pltpu.sync_copy(idx2d.at[pl.ds(t0, CHUNK)], idx_v)
        pltpu.sync_copy(seg2d.at[pl.ds(t0, CHUNK)], seg_v)
        descs = [
            pltpu.async_copy(emb.at[idx_v.at[pl.ds(j * GG, GG)]],
                             rows.at[pl.ds(j * GG, GG)], sem)
            for j in range(NGG)
        ]
        for dsc in descs:
            dsc.wait()

        def grp_body(g, gcarry):
            tl = iota16 + g * 16
            lvec = lax.rem(tl + t0, L)
            sv = seg_v[pl.ds(g * 16, 16)]
            cbase = (lvec * 2 + sv) * D
            tbase = tl * D

            def p1(d, acc):
                s_a, q_a = acc
                dv = jnp.broadcast_to(d, (16,)).astype(jnp.int32)
                v = (plsc.load_gather(rows, [tl, dv])
                     + plsc.load_gather(comb, [cbase + dv]))
                comb[pl.ds(25600 + g * 1024 + d * 16, 16)] = v
                return (s_a + v, q_a + v * v)
            s_a, q_a = lax.fori_loop(0, D, p1, (zeros, zeros), unroll=4)

            mean = s_a * (1.0 / D)
            var = q_a * (1.0 / D) - mean * mean
            xv = var + EPS
            iv = plsc.bitcast(
                jnp.full((16,), 0x5F3759DF, jnp.int32)
                - lax.shift_right_logical(plsc.bitcast(xv, jnp.int32), 1),
                jnp.float32)
            for _ in range(2):
                iv = iv * (1.5 - 0.5 * xv * iv * iv)

            def p2(d, acc):
                dv = jnp.broadcast_to(d, (16,)).astype(jnp.int32)
                v = comb[pl.ds(25600 + g * 1024 + d * 16, 16)]
                gv = plsc.load_gather(gb_v, [dv])
                bv = plsc.load_gather(gb_v, [dv + D])
                o = (v - mean) * iv * gv + bv
                plsc.store_scatter(rows, [tl, dv], o)
                return acc
            lax.fori_loop(0, D, p2, 0, unroll=4)
            return gcarry
        lax.fori_loop(0, NGRP, grp_body, 0)
        pltpu.sync_copy(rows, out.at[pl.ds(t0, CHUNK)])
        return carry
    lax.fori_loop(0, NCHUNK, chunk_body, 0)


def kernel(inputs, segments, emb_table, seg_table, pos_emb, ln_gamma, ln_beta):
    idx2d = inputs.reshape(N)
    seg2d = segments.reshape(N)
    gb = jnp.concatenate([ln_gamma, ln_beta])
    mesh = plsc.VectorSubcoreMesh(core_axis_name="c", subcore_axis_name="s")
    run = pl.kernel(
        _tec_body,
        out_type=jax.ShapeDtypeStruct((N, D), jnp.float32),
        mesh=mesh,
        compiler_params=pltpu.CompilerParams(
            needs_layout_passes=False, use_tc_tiling_on_sc=False),
        scratch_types=[
            pltpu.VMEM((CHUNK,), jnp.int32),
            pltpu.VMEM((CHUNK,), jnp.int32),
            pltpu.VMEM((CHUNK, D), jnp.float32),
            pltpu.VMEM((25600 + CHUNK * 64,), jnp.float32),
            pltpu.VMEM((L, D), jnp.float32),
            pltpu.VMEM((2, D), jnp.float32),
            pltpu.VMEM((2 * D,), jnp.float32),
            pltpu.SemaphoreType.DMA,
        ],
    )
    out = run(idx2d, seg2d, emb_table, seg_table, pos_emb, gb)
    return out.reshape(B, L, D)

# --- scband reference (transcript-rebuilt; emitter-appended) ---
"""Pipeline reference for scband-transformer-embedding-90924457656881 (READ-ONLY COPY).

The authoritative reference and input builder live on the scoring server;
editing this copy changes nothing except your own understanding.
"""

import jax, jax.numpy as jnp
import numpy as np

VOCAB = 1000000
SEG = 2
D = 64
B = 1024
L = 200
MAX_POS = 2048
EPS = 1e-12


def _sinusoidal_table():
    i = np.arange(D)
    denom = np.power(10000.0, 2 * (i // 2) / D)
    pos = np.arange(MAX_POS)[:, None] / denom[None, :]
    pe = np.zeros_like(pos)
    pe[:, 0::2] = np.sin(pos[:, 0::2])
    pe[:, 1::2] = np.cos(pos[:, 1::2])
    return jnp.asarray(pe, dtype=jnp.float32)


def setup_inputs(seed: int = 0) -> dict:
    key = jax.random.key(seed)
    k1, k2, k3, k4 = jax.random.split(key, 4)
    inputs = jax.random.randint(k1, (B, L), 0, VOCAB, dtype=jnp.int64 if jax.config.jax_enable_x64 else jnp.int32).astype(jnp.int32)
    segments = jax.random.randint(k2, (B, L), 0, SEG, dtype=jnp.int32)
    emb_table = jax.random.normal(k3, (VOCAB, D), dtype=jnp.float32) * 0.02
    seg_table = jax.random.normal(k4, (SEG, D), dtype=jnp.float32) * 0.02
    ln_gamma = jnp.ones((D,), dtype=jnp.float32)
    ln_beta = jnp.zeros((D,), dtype=jnp.float32)
    pos_emb = _sinusoidal_table()
    return {
        "inputs": inputs,
        "segments": segments,
        "emb_table": emb_table,
        "seg_table": seg_table,
        "pos_emb": pos_emb,
        "ln_gamma": ln_gamma,
        "ln_beta": ln_beta,
    }


def reference(inputs, segments, emb_table, seg_table, pos_emb, ln_gamma, ln_beta):
    _len = inputs.shape[1]
    pos_vecs = pos_emb[:_len, :][None, :, :]
    f = jnp.take(emb_table, inputs, axis=0) + pos_vecs + jnp.take(seg_table, segments, axis=0)
    mean = jnp.mean(f, axis=-1, keepdims=True)
    var = jnp.mean(jnp.square(f - mean), axis=-1, keepdims=True)
    f = (f - mean) / jnp.sqrt(var + EPS) * ln_gamma + ln_beta
    # dropout p=0.0 -> identity
    return f

if __name__ == "__main__":
    import jax
    _d = setup_inputs()
    print(jax.jit(kernel)(*tuple(_d.values())))

</pallas_src>

<mosaic_0001>
#map = affine_map<(d0, d1) -> (0)>
#map1 = affine_map<(d0, d1) -> (0, 0)>
module attributes {stable_mosaic.version = 14 : i64} {
  func.func @_tec_body(%arg0: i32, %arg1: i32, %arg2: memref<204800xi32, #tpu.memory_space<hbm>>, %arg3: memref<204800xi32, #tpu.memory_space<hbm>>, %arg4: memref<1000000x64xf32, #tpu.memory_space<hbm>>, %arg5: memref<2x64xf32, #tpu.memory_space<hbm>>, %arg6: memref<2048x64xf32, #tpu.memory_space<hbm>>, %arg7: memref<128xf32, #tpu.memory_space<hbm>>, %arg8: memref<204800x64xf32, #tpu.memory_space<hbm>>, %arg9: memref<640xi32, #tpu.memory_space<vmem>>, %arg10: memref<640xi32, #tpu.memory_space<vmem>>, %arg11: memref<640x64xf32, #tpu.memory_space<vmem>>, %arg12: memref<66560xf32, #tpu.memory_space<vmem>>, %arg13: memref<200x64xf32, #tpu.memory_space<vmem>>, %arg14: memref<2x64xf32, #tpu.memory_space<vmem>>, %arg15: memref<128xf32, #tpu.memory_space<vmem>>, %arg16: memref<!tpu.dma_semaphore, #tpu.memory_space<semaphore_mem>>) attributes {dimension_semantics = [#tpu.dimension_semantics<core_parallel>, #tpu.dimension_semantics<subcore_parallel>], iteration_bounds = array<i64: 2, 16>, scalar_prefetch = 0 : i64, scratch_operands = 8 : i64, tpu.core_type = #tpu.core_type<sc_vector_subcore>, window_params = [{transform_indices = #map}, {transform_indices = #map}, {transform_indices = #map1}, {transform_indices = #map1}, {transform_indices = #map1}, {transform_indices = #map}, {transform_indices = #map1}]} {
    %mul3A = arith.constant 2 : i32
    %mul3A_0 = arith.muli %arg1, %mul3A : i32
    %add3A = arith.addi %mul3A_0, %arg0 : i32
    "tpu.region"() ({
      %run_scoped3A = tpu.sem_alloc : memref<!tpu.dma_semaphore, #tpu.memory_space<semaphore_mem>>
      %dma_start3A = arith.constant 0 : i32
      %dma_start3A_13 = arith.constant 0 : i32
      %dma_start3A_14 = tpu.memref_slice %arg6[%dma_start3A, %dma_start3A_13] : memref<2048x64xf32, #tpu.memory_space<hbm>> -> memref<200x64xf32, #tpu.memory_space<hbm>>
      %dma_start3A_15 = arith.constant 0 : i32
      %dma_start3A_16 = arith.constant 0 : i32
      %dma_start3A_17 = tpu.memref_slice %arg6[%dma_start3A_15, %dma_start3A_16] : memref<2048x64xf32, #tpu.memory_space<hbm>> -> memref<200x64xf32, #tpu.memory_space<hbm>>
      tpu.enqueue_dma source(%dma_start3A_17 : memref<200x64xf32, #tpu.memory_space<hbm>>) target(%arg13 : memref<200x64xf32, #tpu.memory_space<vmem>>) target_semaphore(%run_scoped3A : memref<!tpu.dma_semaphore, #tpu.memory_space<semaphore_mem>>)
      %dma_wait3A = arith.constant 0 : i32
      %dma_wait3A_18 = arith.constant 0 : i32
      %dma_wait3A_19 = tpu.memref_slice %arg6[%dma_wait3A, %dma_wait3A_18] : memref<2048x64xf32, #tpu.memory_space<hbm>> -> memref<200x64xf32, #tpu.memory_space<hbm>>
      %dma_wait3A_20 = arith.constant 0 : i32
      %dma_wait3A_21 = arith.constant 0 : i32
      %dma_wait3A_22 = tpu.memref_slice %arg6[%dma_wait3A_20, %dma_wait3A_21] : memref<2048x64xf32, #tpu.memory_space<hbm>> -> memref<200x64xf32, #tpu.memory_space<hbm>>
      tpu.wait_dma2 semaphore(%run_scoped3A : memref<!tpu.dma_semaphore, #tpu.memory_space<semaphore_mem>>) src(%dma_wait3A_22 : memref<200x64xf32, #tpu.memory_space<hbm>>) dst(%arg13 : memref<200x64xf32, #tpu.memory_space<vmem>>)
      tpu.yield
    }) : () -> ()
    "tpu.region"() ({
      %run_scoped3A = tpu.sem_alloc : memref<!tpu.dma_semaphore, #tpu.memory_space<semaphore_mem>>
      tpu.enqueue_dma source(%arg5 : memref<2x64xf32, #tpu.memory_space<hbm>>) target(%arg14 : memref<2x64xf32, #tpu.memory_space<vmem>>) target_semaphore(%run_scoped3A : memref<!tpu.dma_semaphore, #tpu.memory_space<semaphore_mem>>)
      tpu.wait_dma2 semaphore(%run_scoped3A : memref<!tpu.dma_semaphore, #tpu.memory_space<semaphore_mem>>) src(%arg5 : memref<2x64xf32, #tpu.memory_space<hbm>>) dst(%arg14 : memref<2x64xf32, #tpu.memory_space<vmem>>)
      tpu.yield
    }) : () -> ()
    "tpu.region"() ({
      %run_scoped3A = tpu.sem_alloc : memref<!tpu.dma_semaphore, #tpu.memory_space<semaphore_mem>>
      tpu.enqueue_dma source(%arg7 : memref<128xf32, #tpu.memory_space<hbm>>) target(%arg15 : memref<128xf32, #tpu.memory_space<vmem>>) target_semaphore(%run_scoped3A : memref<!tpu.dma_semaphore, #tpu.memory_space<semaphore_mem>>)
      tpu.wait_dma2 semaphore(%run_scoped3A : memref<!tpu.dma_semaphore, #tpu.memory_space<semaphore_mem>>) src(%arg7 : memref<128xf32, #tpu.memory_space<hbm>>) dst(%arg15 : memref<128xf32, #tpu.memory_space<vmem>>)
      tpu.yield
    }) : () -> ()
    %scan3A = arith.constant 0 : i32
    %scan3A_1 = arith.constant 0 : i32
    %scan3A_2 = arith.constant 200 : i32
    %scan3A_3 = arith.addi %scan3A_1, %scan3A_2 : i32
    %scan3A_4 = arith.constant 1 : i32
    scf.for %scan3A_13 = %scan3A_1 to %scan3A_3 step %scan3A_4  : i32 {
      %get3A = arith.index_cast %scan3A_13 : i32 to index
      %get3A_14 = arith.constant 0 : index
      %get3A_15 = tpu.vector_load %arg13[%get3A, %get3A_14] {strides = array<i32>} : memref<200x64xf32, #tpu.memory_space<vmem>>, vector<16xf32>,
      %get3A_16 = arith.constant 0 : i32
      %get3A_17 = arith.index_cast %get3A_16 : i32 to index
      %get3A_18 = arith.constant 0 : index
      %get3A_19 = tpu.vector_load %arg14[%get3A_17, %get3A_18] {strides = array<i32>} : memref<2x64xf32, #tpu.memory_space<vmem>>, vector<16xf32>,
      %add3A_20 = arith.addf %get3A_15, %get3A_19 : vector<16xf32>
      %mul3A_21 = arith.constant 128 : i32
      %mul3A_22 = arith.muli %scan3A_13, %mul3A_21 : i32
      %add3A_23 = arith.constant 0 : i32
      %add3A_24 = arith.addi %mul3A_22, %add3A_23 : i32
      %swap3A = arith.index_cast %add3A_24 : i32 to index
      %swap3A_25 = tpu.vector_load %arg12[%swap3A] {strides = array<i32>} : memref<66560xf32, #tpu.memory_space<vmem>>, vector<16xf32>,
      tpu.vector_store %arg12[%swap3A], %add3A_20 {strides = array<i32>} : memref<66560xf32, #tpu.memory_space<vmem>>, vector<16xf32>,
      %get3A_26 = arith.constant 1 : i32
      %get3A_27 = arith.index_cast %get3A_26 : i32 to index
      %get3A_28 = arith.constant 0 : index
      %get3A_29 = tpu.vector_load %arg14[%get3A_27, %get3A_28] {strides = array<i32>} : memref<2x64xf32, #tpu.memory_space<vmem>>, vector<16xf32>,
      %add3A_30 = arith.addf %get3A_15, %get3A_29 : vector<16xf32>
      %mul3A_31 = arith.constant 128 : i32
      %mul3A_32 = arith.muli %scan3A_13, %mul3A_31 : i32
      %add3A_33 = arith.constant 64 : i32
      %add3A_34 = arith.addi %mul3A_32, %add3A_33 : i32
      %add3A_35 = arith.constant 0 : i32
      %add3A_36 = arith.addi %add3A_34, %add3A_35 : i32
      %swap3A_37 = arith.index_cast %add3A_36 : i32 to index
      %swap3A_38 = tpu.vector_load %arg12[%swap3A_37] {strides = array<i32>} : memref<66560xf32, #tpu.memory_space<vmem>>, vector<16xf32>,
      tpu.vector_store %arg12[%swap3A_37], %add3A_30 {strides = array<i32>} : memref<66560xf32, #tpu.memory_space<vmem>>, vector<16xf32>,
      %get3A_39 = arith.index_cast %scan3A_13 : i32 to index
      %get3A_40 = arith.constant 16 : index
      %get3A_41 = tpu.vector_load %arg13[%get3A_39, %get3A_40] {strides = array<i32>} : memref<200x64xf32, #tpu.memory_space<vmem>>, vector<16xf32>,
      %get3A_42 = arith.constant 0 : i32
      %get3A_43 = arith.index_cast %get3A_42 : i32 to index
      %get3A_44 = arith.constant 16 : index
      %get3A_45 = tpu.vector_load %arg14[%get3A_43, %get3A_44] {strides = array<i32>} : memref<2x64xf32, #tpu.memory_space<vmem>>, vector<16xf32>,
      %add3A_46 = arith.addf %get3A_41, %get3A_45 : vector<16xf32>
      %mul3A_47 = arith.constant 128 : i32
      %mul3A_48 = arith.muli %scan3A_13, %mul3A_47 : i32
      %add3A_49 = arith.constant 16 : i32
      %add3A_50 = arith.addi %mul3A_48, %add3A_49 : i32
      %swap3A_51 = arith.index_cast %add3A_50 : i32 to index
      %swap3A_52 = tpu.vector_load %arg12[%swap3A_51] {strides = array<i32>} : memref<66560xf32, #tpu.memory_space<vmem>>, vector<16xf32>,
      tpu.vector_store %arg12[%swap3A_51], %add3A_46 {strides = array<i32>} : memref<66560xf32, #tpu.memory_space<vmem>>, vector<16xf32>,
      %get3A_53 = arith.constant 1 : i32
      %get3A_54 = arith.index_cast %get3A_53 : i32 to index
      %get3A_55 = arith.constant 16 : index
      %get3A_56 = tpu.vector_load %arg14[%get3A_54, %get3A_55] {strides = array<i32>} : memref<2x64xf32, #tpu.memory_space<vmem>>, vector<16xf32>,
      %add3A_57 = arith.addf %get3A_41, %get3A_56 : vector<16xf32>
      %mul3A_58 = arith.constant 128 : i32
      %mul3A_59 = arith.muli %scan3A_13, %mul3A_58 : i32
      %add3A_60 = arith.constant 64 : i32
      %add3A_61 = arith.addi %mul3A_59, %add3A_60 : i32
      %add3A_62 = arith.constant 16 : i32
      %add3A_63 = arith.addi %add3A_61, %add3A_62 : i32
      %swap3A_64 = arith.index_cast %add3A_63 : i32 to index
      %swap3A_65 = tpu.vector_load %arg12[%swap3A_64] {strides = array<i32>} : memref<66560xf32, #tpu.memory_space<vmem>>, vector<16xf32>,
      tpu.vector_store %arg12[%swap3A_64], %add3A_57 {strides = array<i32>} : memref<66560xf32, #tpu.memory_space<vmem>>, vector<16xf32>,
      %get3A_66 = arith.index_cast %scan3A_13 : i32 to index
      %get3A_67 = arith.constant 32 : index
      %get3A_68 = tpu.vector_load %arg13[%get3A_66, %get3A_67] {strides = array<i32>} : memref<200x64xf32, #tpu.memory_space<vmem>>, vector<16xf32>,
      %get3A_69 = arith.constant 0 : i32
      %get3A_70 = arith.index_cast %get3A_69 : i32 to index
      %get3A_71 = arith.constant 32 : index
      %get3A_72 = tpu.vector_load %arg14[%get3A_70, %get3A_71] {strides = array<i32>} : memref<2x64xf32, #tpu.memory_space<vmem>>, vector<16xf32>,
      %add3A_73 = arith.addf %get3A_68, %get3A_72 : vector<16xf32>
      %mul3A_74 = arith.constant 128 : i32
      %mul3A_75 = arith.muli %scan3A_13, %mul3A_74 : i32
      %add3A_76 = arith.constant 32 : i32
      %add3A_77 = arith.addi %mul3A_75, %add3A_76 : i32
      %swap3A_78 = arith.index_cast %add3A_77 : i32 to index
      %swap3A_79 = tpu.vector_load %arg12[%swap3A_78] {strides = array<i32>} : memref<66560xf32, #tpu.memory_space<vmem>>, vector<16xf32>,
      tpu.vector_store %arg12[%swap3A_78], %add3A_73 {strides = array<i32>} : memref<66560xf32, #tpu.memory_space<vmem>>, vector<16xf32>,
      %get3A_80 = arith.constant 1 : i32
      %get3A_81 = arith.index_cast %get3A_80 : i32 to index
      %get3A_82 = arith.constant 32 : index
      %get3A_83 = tpu.vector_load %arg14[%get3A_81, %get3A_82] {strides = array<i32>} : memref<2x64xf32, #tpu.memory_space<vmem>>, vector<16xf32>,
      %add3A_84 = arith.addf %get3A_68, %get3A_83 : vector<16xf32>
      %mul3A_85 = arith.constant 128 : i32
      %mul3A_86 = arith.muli %scan3A_13, %mul3A_85 : i32
      %add3A_87 = arith.constant 64 : i32
      %add3A_88 = arith.addi %mul3A_86, %add3A_87 : i32
      %add3A_89 = arith.constant 32 : i32
      %add3A_90 = arith.addi %add3A_88, %add3A_89 : i32
      %swap3A_91 = arith.index_cast %add3A_90 : i32 to index
      %swap3A_92 = tpu.vector_load %arg12[%swap3A_91] {strides = array<i32>} : memref<66560xf32, #tpu.memory_space<vmem>>, vector<16xf32>,
      tpu.vector_store %arg12[%swap3A_91], %add3A_84 {strides = array<i32>} : memref<66560xf32, #tpu.memory_space<vmem>>, vector<16xf32>,
      %get3A_93 = arith.index_cast %scan3A_13 : i32 to index
      %get3A_94 = arith.constant 48 : index
      %get3A_95 = tpu.vector_load %arg13[%get3A_93, %get3A_94] {strides = array<i32>} : memref<200x64xf32, #tpu.memory_space<vmem>>, vector<16xf32>,
      %get3A_96 = arith.constant 0 : i32
      %get3A_97 = arith.index_cast %get3A_96 : i32 to index
      %get3A_98 = arith.constant 48 : index
      %get3A_99 = tpu.vector_load %arg14[%get3A_97, %get3A_98] {strides = array<i32>} : memref<2x64xf32, #tpu.memory_space<vmem>>, vector<16xf32>,
      %add3A_100 = arith.addf %get3A_95, %get3A_99 : vector<16xf32>
      %mul3A_101 = arith.constant 128 : i32
      %mul3A_102 = arith.muli %scan3A_13, %mul3A_101 : i32
      %add3A_103 = arith.constant 48 : i32
      %add3A_104 = arith.addi %mul3A_102, %add3A_103 : i32
      %swap3A_105 = arith.index_cast %add3A_104 : i32 to index
      %swap3A_106 = tpu.vector_load %arg12[%swap3A_105] {strides = array<i32>} : memref<66560xf32, #tpu.memory_space<vmem>>, vector<16xf32>,
      tpu.vector_store %arg12[%swap3A_105], %add3A_100 {strides = array<i32>} : memref<66560xf32, #tpu.memory_space<vmem>>, vector<16xf32>,
      %get3A_107 = arith.constant 1 : i32
      %get3A_108 = arith.index_cast %get3A_107 : i32 to index
      %get3A_109 = arith.constant 48 : index
      %get3A_110 = tpu.vector_load %arg14[%get3A_108, %get3A_109] {strides = array<i32>} : memref<2x64xf32, #tpu.memory_space<vmem>>, vector<16xf32>,
      %add3A_111 = arith.addf %get3A_95, %get3A_110 : vector<16xf32>
      %mul3A_112 = arith.constant 128 : i32
      %mul3A_113 = arith.muli %scan3A_13, %mul3A_112 : i32
      %add3A_114 = arith.constant 64 : i32
      %add3A_115 = arith.addi %mul3A_113, %add3A_114 : i32
      %add3A_116 = arith.constant 48 : i32
      %add3A_117 = arith.addi %add3A_115, %add3A_116 : i32
      %swap3A_118 = arith.index_cast %add3A_117 : i32 to index
      %swap3A_119 = tpu.vector_load %arg12[%swap3A_118] {strides = array<i32>} : memref<66560xf32, #tpu.memory_space<vmem>>, vector<16xf32>,
      tpu.vector_store %arg12[%swap3A_118], %add3A_111 {strides = array<i32>} : memref<66560xf32, #tpu.memory_space<vmem>>, vector<16xf32>,
    }
    %scan3A_5 = arith.constant 200 : i32
    %iota3A = tpu.iota {dimensions = array<i32: 0>} : vector<16xi32>
    %broadcast_in_dim3A = arith.constant 0.000000e+00 : f32
    %broadcast_in_dim3A_6 = vector.broadcast %broadcast_in_dim3A : f32 to vector<16xf32>
    %scan3A_7 = arith.constant 0 : i32
    %scan3A_8 = arith.constant 0 : i32
    %scan3A_9 = arith.constant 10 : i32
    %scan3A_10 = arith.addi %scan3A_8, %scan3A_9 : i32
    %scan3A_11 = arith.constant 1 : i32
    scf.for %scan3A_13 = %scan3A_8 to %scan3A_10 step %scan3A_11  : i32 {
      %mul3A_14 = arith.constant 6400 : i32
      %mul3A_15 = arith.muli %add3A, %mul3A_14 : i32
      %mul3A_16 = arith.constant 640 : i32
      %mul3A_17 = arith.muli %scan3A_13, %mul3A_16 : i32
      %add3A_18 = arith.addi %mul3A_15, %mul3A_17 : i32
      "tpu.region"() ({
        %run_scoped3A = tpu.sem_alloc : memref<!tpu.dma_semaphore, #tpu.memory_space<semaphore_mem>>
        %dma_start3A_103 = tpu.memref_slice %arg2[%add3A_18] : memref<204800xi32, #tpu.memory_space<hbm>> -> memref<640xi32, #tpu.memory_space<hbm>>
        %dma_start3A_104 = tpu.memref_slice %arg2[%add3A_18] : memref<204800xi32, #tpu.memory_space<hbm>> -> memref<640xi32, #tpu.memory_space<hbm>>
        tpu.enqueue_dma source(%dma_start3A_104 : memref<640xi32, #tpu.memory_space<hbm>>) target(%arg9 : memref<640xi32, #tpu.memory_space<vmem>>) target_semaphore(%run_scoped3A : memref<!tpu.dma_semaphore, #tpu.memory_space<semaphore_mem>>)
        %dma_wait3A_105 = tpu.memref_slice %arg2[%add3A_18] : memref<204800xi32, #tpu.memory_space<hbm>> -> memref<640xi32, #tpu.memory_space<hbm>>
        %dma_wait3A_106 = tpu.memref_slice %arg2[%add3A_18] : memref<204800xi32, #tpu.memory_space<hbm>> -> memref<640xi32, #tpu.memory_space<hbm>>
        tpu.wait_dma2 semaphore(%run_scoped3A : memref<!tpu.dma_semaphore, #tpu.memory_space<semaphore_mem>>) src(%dma_wait3A_106 : memref<640xi32, #tpu.memory_space<hbm>>) dst(%arg9 : memref<640xi32, #tpu.memory_space<vmem>>)
        tpu.yield
      }) : () -> ()
      "tpu.region"() ({
        %run_scoped3A = tpu.sem_alloc : memref<!tpu.dma_semaphore, #tpu.memory_space<semaphore_mem>>
        %dma_start3A_103 = tpu.memref_slice %arg3[%add3A_18] : memref<204800xi32, #tpu.memory_space<hbm>> -> memref<640xi32, #tpu.memory_space<hbm>>
        %dma_start3A_104 = tpu.memref_slice %arg3[%add3A_18] : memref<204800xi32, #tpu.memory_space<hbm>> -> memref<640xi32, #tpu.memory_space<hbm>>
        tpu.enqueue_dma source(%dma_start3A_104 : memref<640xi32, #tpu.memory_space<hbm>>) target(%arg10 : memref<640xi32, #tpu.memory_space<vmem>>) target_semaphore(%run_scoped3A : memref<!tpu.dma_semaphore, #tpu.memory_space<semaphore_mem>>)
        %dma_wait3A_105 = tpu.memref_slice %arg3[%add3A_18] : memref<204800xi32, #tpu.memory_space<hbm>> -> memref<640xi32, #tpu.memory_space<hbm>>
        %dma_wait3A_106 = tpu.memref_slice %arg3[%add3A_18] : memref<204800xi32, #tpu.memory_space<hbm>> -> memref<640xi32, #tpu.memory_space<hbm>>
        tpu.wait_dma2 semaphore(%run_scoped3A : memref<!tpu.dma_semaphore, #tpu.memory_space<semaphore_mem>>) src(%dma_wait3A_106 : memref<640xi32, #tpu.memory_space<hbm>>) dst(%arg10 : memref<640xi32, #tpu.memory_space<vmem>>)
        tpu.yield
      }) : () -> ()
      %dma_start3A = arith.constant 0 : i32
      %dma_start3A_19 = arith.constant 0 : i32
      %dma_start3A_20 = tpu.memref_slice %arg11[%dma_start3A, %dma_start3A_19] : memref<640x64xf32, #tpu.memory_space<vmem>> -> memref<128x64xf32, #tpu.memory_space<vmem>>
      %dma_start3A_21 = arith.constant 0 : i32
      %dma_start3A_22 = tpu.memref_slice %arg9[%dma_start3A_21] : memref<640xi32, #tpu.memory_space<vmem>> -> memref<128xi32, #tpu.memory_space<vmem>>
      %dma_start3A_23 = arith.constant 0 : i32
      %dma_start3A_24 = arith.constant 0 : i32
      %dma_start3A_25 = tpu.memref_slice %arg4[%dma_start3A_23, %dma_start3A_24] : memref<1000000x64xf32, #tpu.memory_space<hbm>> -> memref<1000000x64xf32, #tpu.memory_space<hbm>>
      tpu.enqueue_indirect_dma source(%dma_start3A_25 : memref<1000000x64xf32, #tpu.memory_space<hbm>>) target(%dma_start3A_20 : memref<128x64xf32, #tpu.memory_space<vmem>>) offsets(%dma_start3A_22 : memref<128xi32, #tpu.memory_space<vmem>>) semaphore(%arg16 : memref<!tpu.dma_semaphore, #tpu.memory_space<semaphore_mem>>)
      %dma_start3A_26 = arith.constant 128 : i32
      %dma_start3A_27 = arith.constant 0 : i32
      %dma_start3A_28 = tpu.memref_slice %arg11[%dma_start3A_26, %dma_start3A_27] : memref<640x64xf32, #tpu.memory_space<vmem>> -> memref<128x64xf32, #tpu.memory_space<vmem>>
      %dma_start3A_29 = arith.constant 128 : i32
      %dma_start3A_30 = tpu.memref_slice %arg9[%dma_start3A_29] : memref<640xi32, #tpu.memory_space<vmem>> -> memref<128xi32, #tpu.memory_space<vmem>>
      %dma_start3A_31 = arith.constant 0 : i32
      %dma_start3A_32 = arith.constant 0 : i32
      %dma_start3A_33 = tpu.memref_slice %arg4[%dma_start3A_31, %dma_start3A_32] : memref<1000000x64xf32, #tpu.memory_space<hbm>> -> memref<1000000x64xf32, #tpu.memory_space<hbm>>
      tpu.enqueue_indirect_dma source(%dma_start3A_33 : memref<1000000x64xf32, #tpu.memory_space<hbm>>) target(%dma_start3A_28 : memref<128x64xf32, #tpu.memory_space<vmem>>) offsets(%dma_start3A_30 : memref<128xi32, #tpu.memory_space<vmem>>) semaphore(%arg16 : memref<!tpu.dma_semaphore, #tpu.memory_space<semaphore_mem>>)
      %dma_start3A_34 = arith.constant 256 : i32
      %dma_start3A_35 = arith.constant 0 : i32
      %dma_start3A_36 = tpu.memref_slice %arg11[%dma_start3A_34, %dma_start3A_35] : memref<640x64xf32, #tpu.memory_space<vmem>> -> memref<128x64xf32, #tpu.memory_space<vmem>>
      %dma_start3A_37 = arith.constant 256 : i32
      %dma_start3A_38 = tpu.memref_slice %arg9[%dma_start3A_37] : memref<640xi32, #tpu.memory_space<vmem>> -> memref<128xi32, #tpu.memory_space<vmem>>
      %dma_start3A_39 = arith.constant 0 : i32
      %dma_start3A_40 = arith.constant 0 : i32
      %dma_start3A_41 = tpu.memref_slice %arg4[%dma_start3A_39, %dma_start3A_40] : memref<1000000x64xf32, #tpu.memory_space<hbm>> -> memref<1000000x64xf32, #tpu.memory_space<hbm>>
      tpu.enqueue_indirect_dma source(%dma_start3A_41 : memref<1000000x64xf32, #tpu.memory_space<hbm>>) target(%dma_start3A_36 : memref<128x64xf32, #tpu.memory_space<vmem>>) offsets(%dma_start3A_38 : memref<128xi32, #tpu.memory_space<vmem>>) semaphore(%arg16 : memref<!tpu.dma_semaphore, #tpu.memory_space<semaphore_mem>>)
      %dma_start3A_42 = arith.constant 384 : i32
      %dma_start3A_43 = arith.constant 0 : i32
      %dma_start3A_44 = tpu.memref_slice %arg11[%dma_start3A_42, %dma_start3A_43] : memref<640x64xf32, #tpu.memory_space<vmem>> -> memref<128x64xf32, #tpu.memory_space<vmem>>
      %dma_start3A_45 = arith.constant 384 : i32
      %dma_start3A_46 = tpu.memref_slice %arg9[%dma_start3A_45] : memref<640xi32, #tpu.memory_space<vmem>> -> memref<128xi32, #tpu.memory_space<vmem>>
      %dma_start3A_47 = arith.constant 0 : i32
      %dma_start3A_48 = arith.constant 0 : i32
      %dma_start3A_49 = tpu.memref_slice %arg4[%dma_start3A_47, %dma_start3A_48] : memref<1000000x64xf32, #tpu.memory_space<hbm>> -> memref<1000000x64xf32, #tpu.memory_space<hbm>>
      tpu.enqueue_indirect_dma source(%dma_start3A_49 : memref<1000000x64xf32, #tpu.memory_space<hbm>>) target(%dma_start3A_44 : memref<128x64xf32, #tpu.memory_space<vmem>>) offsets(%dma_start3A_46 : memref<128xi32, #tpu.memory_space<vmem>>) semaphore(%arg16 : memref<!tpu.dma_semaphore, #tpu.memory_space<semaphore_mem>>)
      %dma_start3A_50 = arith.constant 512 : i32
      %dma_start3A_51 = arith.constant 0 : i32
      %dma_start3A_52 = tpu.memref_slice %arg11[%dma_start3A_50, %dma_start3A_51] : memref<640x64xf32, #tpu.memory_space<vmem>> -> memref<128x64xf32, #tpu.memory_space<vmem>>
      %dma_start3A_53 = arith.constant 512 : i32
      %dma_start3A_54 = tpu.memref_slice %arg9[%dma_start3A_53] : memref<640xi32, #tpu.memory_space<vmem>> -> memref<128xi32, #tpu.memory_space<vmem>>
      %dma_start3A_55 = arith.constant 0 : i32
      %dma_start3A_56 = arith.constant 0 : i32
      %dma_start3A_57 = tpu.memref_slice %arg4[%dma_start3A_55, %dma_start3A_56] : memref<1000000x64xf32, #tpu.memory_space<hbm>> -> memref<1000000x64xf32, #tpu.memory_space<hbm>>
      tpu.enqueue_indirect_dma source(%dma_start3A_57 : memref<1000000x64xf32, #tpu.memory_space<hbm>>) target(%dma_start3A_52 : memref<128x64xf32, #tpu.memory_space<vmem>>) offsets(%dma_start3A_54 : memref<128xi32, #tpu.memory_space<vmem>>) semaphore(%arg16 : memref<!tpu.dma_semaphore, #tpu.memory_space<semaphore_mem>>)
      %dma_wait3A = arith.constant 0 : i32
      %dma_wait3A_58 = arith.constant 0 : i32
      %dma_wait3A_59 = tpu.memref_slice %arg11[%dma_wait3A, %dma_wait3A_58] : memref<640x64xf32, #tpu.memory_space<vmem>> -> memref<128x64xf32, #tpu.memory_space<vmem>>
      %dma_wait3A_60 = arith.constant 0 : i32
      %dma_wait3A_61 = tpu.memref_slice %arg9[%dma_wait3A_60] : memref<640xi32, #tpu.memory_space<vmem>> -> memref<128xi32, #tpu.memory_space<vmem>>
      %dma_wait3A_62 = arith.constant 0 : i32
      %dma_wait3A_63 = arith.constant 0 : i32
      %dma_wait3A_64 = tpu.memref_slice %arg4[%dma_wait3A_62, %dma_wait3A_63] : memref<1000000x64xf32, #tpu.memory_space<hbm>> -> memref<1000000x64xf32, #tpu.memory_space<hbm>>
      tpu.wait_indirect_dma semaphore(%arg16 : memref<!tpu.dma_semaphore, #tpu.memory_space<semaphore_mem>>) src(%dma_wait3A_64 : memref<1000000x64xf32, #tpu.memory_space<hbm>>) dst(%dma_wait3A_59 : memref<128x64xf32, #tpu.memory_space<vmem>>)
      %dma_wait3A_65 = arith.constant 128 : i32
      %dma_wait3A_66 = arith.constant 0 : i32
      %dma_wait3A_67 = tpu.memref_slice %arg11[%dma_wait3A_65, %dma_wait3A_66] : memref<640x64xf32, #tpu.memory_space<vmem>> -> memref<128x64xf32, #tpu.memory_space<vmem>>
      %dma_wait3A_68 = arith.constant 128 : i32
      %dma_wait3A_69 = tpu.memref_slice %arg9[%dma_wait3A_68] : memref<640xi32, #tpu.memory_space<vmem>> -> memref<128xi32, #tpu.memory_space<vmem>>
      %dma_wait3A_70 = arith.constant 0 : i32
      %dma_wait3A_71 = arith.constant 0 : i32
      %dma_wait3A_72 = tpu.memref_slice %arg4[%dma_wait3A_70, %dma_wait3A_71] : memref<1000000x64xf32, #tpu.memory_space<hbm>> -> memref<1000000x64xf32, #tpu.memory_space<hbm>>
      tpu.wait_indirect_dma semaphore(%arg16 : memref<!tpu.dma_semaphore, #tpu.memory_space<semaphore_mem>>) src(%dma_wait3A_72 : memref<1000000x64xf32, #tpu.memory_space<hbm>>) dst(%dma_wait3A_67 : memref<128x64xf32, #tpu.memory_space<vmem>>)
      %dma_wait3A_73 = arith.constant 256 : i32
      %dma_wait3A_74 = arith.constant 0 : i32
      %dma_wait3A_75 = tpu.memref_slice %arg11[%dma_wait3A_73, %dma_wait3A_74] : memref<640x64xf32, #tpu.memory_space<vmem>> -> memref<128x64xf32, #tpu.memory_space<vmem>>
      %dma_wait3A_76 = arith.constant 256 : i32
      %dma_wait3A_77 = tpu.memref_slice %arg9[%dma_wait3A_76] : memref<640xi32, #tpu.memory_space<vmem>> -> memref<128xi32, #tpu.memory_space<vmem>>
      %dma_wait3A_78 = arith.constant 0 : i32
      %dma_wait3A_79 = arith.constant 0 : i32
      %dma_wait3A_80 = tpu.memref_slice %arg4[%dma_wait3A_78, %dma_wait3A_79] : memref<1000000x64xf32, #tpu.memory_space<hbm>> -> memref<1000000x64xf32, #tpu.memory_space<hbm>>
      tpu.wait_indirect_dma semaphore(%arg16 : memref<!tpu.dma_semaphore, #tpu.memory_space<semaphore_mem>>) src(%dma_wait3A_80 : memref<1000000x64xf32, #tpu.memory_space<hbm>>) dst(%dma_wait3A_75 : memref<128x64xf32, #tpu.memory_space<vmem>>)
      %dma_wait3A_81 = arith.constant 384 : i32
      %dma_wait3A_82 = arith.constant 0 : i32
      %dma_wait3A_83 = tpu.memref_slice %arg11[%dma_wait3A_81, %dma_wait3A_82] : memref<640x64xf32, #tpu.memory_space<vmem>> -> memref<128x64xf32, #tpu.memory_space<vmem>>
      %dma_wait3A_84 = arith.constant 384 : i32
      %dma_wait3A_85 = tpu.memref_slice %arg9[%dma_wait3A_84] : memref<640xi32, #tpu.memory_space<vmem>> -> memref<128xi32, #tpu.memory_space<vmem>>
      %dma_wait3A_86 = arith.constant 0 : i32
      %dma_wait3A_87 = arith.constant 0 : i32
      %dma_wait3A_88 = tpu.memref_slice %arg4[%dma_wait3A_86, %dma_wait3A_87] : memref<1000000x64xf32, #tpu.memory_space<hbm>> -> memref<1000000x64xf32, #tpu.memory_space<hbm>>
      tpu.wait_indirect_dma semaphore(%arg16 : memref<!tpu.dma_semaphore, #tpu.memory_space<semaphore_mem>>) src(%dma_wait3A_88 : memref<1000000x64xf32, #tpu.memory_space<hbm>>) dst(%dma_wait3A_83 : memref<128x64xf32, #tpu.memory_space<vmem>>)
      %dma_wait3A_89 = arith.constant 512 : i32
      %dma_wait3A_90 = arith.constant 0 : i32
      %dma_wait3A_91 = tpu.memref_slice %arg11[%dma_wait3A_89, %dma_wait3A_90] : memref<640x64xf32, #tpu.memory_space<vmem>> -> memref<128x64xf32, #tpu.memory_space<vmem>>
      %dma_wait3A_92 = arith.constant 512 : i32
      %dma_wait3A_93 = tpu.memref_slice %arg9[%dma_wait3A_92] : memref<640xi32, #tpu.memory_space<vmem>> -> memref<128xi32, #tpu.memory_space<vmem>>
      %dma_wait3A_94 = arith.constant 0 : i32
      %dma_wait3A_95 = arith.constant 0 : i32
      %dma_wait3A_96 = tpu.memref_slice %arg4[%dma_wait3A_94, %dma_wait3A_95] : memref<1000000x64xf32, #tpu.memory_space<hbm>> -> memref<1000000x64xf32, #tpu.memory_space<hbm>>
      tpu.wait_indirect_dma semaphore(%arg16 : memref<!tpu.dma_semaphore, #tpu.memory_space<semaphore_mem>>) src(%dma_wait3A_96 : memref<1000000x64xf32, #tpu.memory_space<hbm>>) dst(%dma_wait3A_91 : memref<128x64xf32, #tpu.memory_space<vmem>>)
      %scan3A_97 = arith.constant 0 : i32
      %scan3A_98 = arith.constant 0 : i32
      %scan3A_99 = arith.constant 40 : i32
      %scan3A_100 = arith.addi %scan3A_98, %scan3A_99 : i32
      %scan3A_101 = arith.constant 1 : i32
      scf.for %scan3A_103 = %scan3A_98 to %scan3A_100 step %scan3A_101  : i32 {
        %mul3A_104 = arith.constant 16 : i32
        %mul3A_105 = arith.muli %scan3A_103, %mul3A_104 : i32
        %add3A_106 = vector.broadcast %mul3A_105 : i32 to vector<16xi32>
        %add3A_107 = arith.addi %iota3A, %add3A_106 : vector<16xi32>
        %add3A_108 = vector.broadcast %add3A_18 : i32 to vector<16xi32>
        %add3A_109 = arith.addi %add3A_107, %add3A_108 : vector<16xi32>
        %rem3A = arith.constant 200 : i32
        %rem3A_110 = vector.broadcast %rem3A : i32 to vector<16xi32>
        %rem3A_111 = arith.remsi %add3A_109, %rem3A_110 : vector<16xi32>
        %mul3A_112 = arith.constant 16 : i32
        %mul3A_113 = arith.muli %scan3A_103, %mul3A_112 : i32
        %get3A = arith.index_cast %mul3A_113 : i32 to index
        %get3A_114 = tpu.vector_load %arg10[%get3A] {strides = array<i32>} : memref<640xi32, #tpu.memory_space<vmem>>, vector<16xi32>,
        %mul3A_115 = arith.constant 2 : i32
        %mul3A_116 = vector.broadcast %mul3A_115 : i32 to vector<16xi32>
        %mul3A_117 = arith.muli %rem3A_111, %mul3A_116 : vector<16xi32>
        %add3A_118 = arith.addi %mul3A_117, %get3A_114 : vector<16xi32>
        %mul3A_119 = arith.constant 64 : i32
        %mul3A_120 = vector.broadcast %mul3A_119 : i32 to vector<16xi32>
        %mul3A_121 = arith.muli %add3A_118, %mul3A_120 : vector<16xi32>
        %mul3A_122 = arith.constant 64 : i32
        %mul3A_123 = vector.broadcast %mul3A_122 : i32 to vector<16xi32>
        %mul3A_124 = arith.muli %add3A_107, %mul3A_123 : vector<16xi32>
        %scan3A_125 = arith.constant 0 : i32
        %scan3A_126 = arith.constant 64 : i32
        %scan3A_127 = arith.addi %scan3A_125, %scan3A_126 : i32
        %scan3A_128 = arith.constant 4 : i32
        %scan3A_129:2 = scf.for %scan3A_171 = %scan3A_125 to %scan3A_127 step %scan3A_128 iter_args(%scan3A_172 = %broadcast_in_dim3A_6, %scan3A_173 = %broadcast_in_dim3A_6) -> (vector<16xf32>, vector<16xf32>)  : i32 {
          %broadcast_in_dim3A_174 = vector.broadcast %scan3A_171 : i32 to vector<16xi32>
          %gather3A = tpu.vector_load_idx %arg11[%add3A_107, %broadcast_in_dim3A_174] : memref<640x64xf32, #tpu.memory_space<vmem>>[vector<16xi32>, vector<16xi32>], vector<16xf32>,
          %add3A_175 = arith.addi %mul3A_121, %broadcast_in_dim3A_174 : vector<16xi32>
          %gather3A_176 = tpu.vector_load_idx %arg12[%add3A_175] : memref<66560xf32, #tpu.memory_space<vmem>>[vector<16xi32>], vector<16xf32>,
          %add3A_177 = arith.addf %gather3A, %gather3A_176 : vector<16xf32>
          %mul3A_178 = arith.constant 1024 : i32
          %mul3A_179 = arith.muli %scan3A_103, %mul3A_178 : i32
          %add3A_180 = arith.constant 25600 : i32
          %add3A_181 = arith.addi %add3A_180, %mul3A_179 : i32
          %mul3A_182 = arith.constant 16 : i32
          %mul3A_183 = arith.muli %scan3A_171, %mul3A_182 : i32
          %add3A_184 = arith.addi %add3A_181, %mul3A_183 : i32
          %swap3A = arith.index_cast %add3A_184 : i32 to index
          %swap3A_185 = tpu.vector_load %arg12[%swap3A] {strides = array<i32>} : memref<66560xf32, #tpu.memory_space<vmem>>, vector<16xf32>,
          tpu.vector_store %arg12[%swap3A], %add3A_177 {strides = array<i32>} : memref<66560xf32, #tpu.memory_space<vmem>>, vector<16xf32>,
          %add3A_186 = arith.addf %scan3A_172, %add3A_177 : vector<16xf32>
          %mul3A_187 = arith.mulf %add3A_177, %add3A_177 : vector<16xf32>
          %add3A_188 = arith.addf %scan3A_173, %mul3A_187 : vector<16xf32>
          %scan3A_189 = arith.constant 1 : i32
          %scan3A_190 = arith.addi %scan3A_171, %scan3A_189 : i32
          %broadcast_in_dim3A_191 = vector.broadcast %scan3A_190 : i32 to vector<16xi32>
          %gather3A_192 = tpu.vector_load_idx %arg11[%add3A_107, %broadcast_in_dim3A_191] : memref<640x64xf32, #tpu.memory_space<vmem>>[vector<16xi32>, vector<16xi32>], vector<16xf32>,
          %add3A_193 = arith.addi %mul3A_121, %broadcast_in_dim3A_191 : vector<16xi32>
          %gather3A_194 = tpu.vector_load_idx %arg12[%add3A_193] : memref<66560xf32, #tpu.memory_space<vmem>>[vector<16xi32>], vector<16xf32>,
          %add3A_195 = arith.addf %gather3A_192, %gather3A_194 : vector<16xf32>
          %mul3A_196 = arith.constant 1024 : i32
          %mul3A_197 = arith.muli %scan3A_103, %mul3A_196 : i32
          %add3A_198 = arith.constant 25600 : i32
          %add3A_199 = arith.addi %add3A_198, %mul3A_197 : i32
          %mul3A_200 = arith.constant 16 : i32
          %mul3A_201 = arith.muli %scan3A_190, %mul3A_200 : i32
          %add3A_202 = arith.addi %add3A_199, %mul3A_201 : i32
          %swap3A_203 = arith.index_cast %add3A_202 : i32 to index
          %swap3A_204 = tpu.vector_load %arg12[%swap3A_203] {strides = array<i32>} : memref<66560xf32, #tpu.memory_space<vmem>>, vector<16xf32>,
          tpu.vector_store %arg12[%swap3A_203], %add3A_195 {strides = array<i32>} : memref<66560xf32, #tpu.memory_space<vmem>>, vector<16xf32>,
          %add3A_205 = arith.addf %add3A_186, %add3A_195 : vector<16xf32>
          %mul3A_206 = arith.mulf %add3A_195, %add3A_195 : vector<16xf32>
          %add3A_207 = arith.addf %add3A_188, %mul3A_206 : vector<16xf32>
          %scan3A_208 = arith.constant 2 : i32
          %scan3A_209 = arith.addi %scan3A_171, %scan3A_208 : i32
          %broadcast_in_dim3A_210 = vector.broadcast %scan3A_209 : i32 to vector<16xi32>
          %gather3A_211 = tpu.vector_load_idx %arg11[%add3A_107, %broadcast_in_dim3A_210] : memref<640x64xf32, #tpu.memory_space<vmem>>[vector<16xi32>, vector<16xi32>], vector<16xf32>,
          %add3A_212 = arith.addi %mul3A_121, %broadcast_in_dim3A_210 : vector<16xi32>
          %gather3A_213 = tpu.vector_load_idx %arg12[%add3A_212] : memref<66560xf32, #tpu.memory_space<vmem>>[vector<16xi32>], vector<16xf32>,
          %add3A_214 = arith.addf %gather3A_211, %gather3A_213 : vector<16xf32>
          %mul3A_215 = arith.constant 1024 : i32
          %mul3A_216 = arith.muli %scan3A_103, %mul3A_215 : i32
          %add3A_217 = arith.constant 25600 : i32
          %add3A_218 = arith.addi %add3A_217, %mul3A_216 : i32
          %mul3A_219 = arith.constant 16 : i32
          %mul3A_220 = arith.muli %scan3A_209, %mul3A_219 : i32
          %add3A_221 = arith.addi %add3A_218, %mul3A_220 : i32
          %swap3A_222 = arith.index_cast %add3A_221 : i32 to index
          %swap3A_223 = tpu.vector_load %arg12[%swap3A_222] {strides = array<i32>} : memref<66560xf32, #tpu.memory_space<vmem>>, vector<16xf32>,
          tpu.vector_store %arg12[%swap3A_222], %add3A_214 {strides = array<i32>} : memref<66560xf32, #tpu.memory_space<vmem>>, vector<16xf32>,
          %add3A_224 = arith.addf %add3A_205, %add3A_214 : vector<16xf32>
          %mul3A_225 = arith.mulf %add3A_214, %add3A_214 : vector<16xf32>
          %add3A_226 = arith.addf %add3A_207, %mul3A_225 : vector<16xf32>
          %scan3A_227 = arith.constant 3 : i32
          %scan3A_228 = arith.addi %scan3A_171, %scan3A_227 : i32
          %broadcast_in_dim3A_229 = vector.broadcast %scan3A_228 : i32 to vector<16xi32>
          %gather3A_230 = tpu.vector_load_idx %arg11[%add3A_107, %broadcast_in_dim3A_229] : memref<640x64xf32, #tpu.memory_space<vmem>>[vector<16xi32>, vector<16xi32>], vector<16xf32>,
          %add3A_231 = arith.addi %mul3A_121, %broadcast_in_dim3A_229 : vector<16xi32>
          %gather3A_232 = tpu.vector_load_idx %arg12[%add3A_231] : memref<66560xf32, #tpu.memory_space<vmem>>[vector<16xi32>], vector<16xf32>,
          %add3A_233 = arith.addf %gather3A_230, %gather3A_232 : vector<16xf32>
          %mul3A_234 = arith.constant 1024 : i32
          %mul3A_235 = arith.muli %scan3A_103, %mul3A_234 : i32
          %add3A_236 = arith.constant 25600 : i32
          %add3A_237 = arith.addi %add3A_236, %mul3A_235 : i32
          %mul3A_238 = arith.constant 16 : i32
          %mul3A_239 = arith.muli %scan3A_228, %mul3A_238 : i32
          %add3A_240 = arith.addi %add3A_237, %mul3A_239 : i32
          %swap3A_241 = arith.index_cast %add3A_240 : i32 to index
          %swap3A_242 = tpu.vector_load %arg12[%swap3A_241] {strides = array<i32>} : memref<66560xf32, #tpu.memory_space<vmem>>, vector<16xf32>,
          tpu.vector_store %arg12[%swap3A_241], %add3A_233 {strides = array<i32>} : memref<66560xf32, #tpu.memory_space<vmem>>, vector<16xf32>,
          %add3A_243 = arith.addf %add3A_224, %add3A_233 : vector<16xf32>
          %mul3A_244 = arith.mulf %add3A_233, %add3A_233 : vector<16xf32>
          %add3A_245 = arith.addf %add3A_226, %mul3A_244 : vector<16xf32>
          scf.yield %add3A_243, %add3A_245 : vector<16xf32>, vector<16xf32>
        }
        %scan3A_130 = arith.constant 64 : i32
        %mul3A_131 = arith.constant 1.562500e-02 : f32
        %mul3A_132 = vector.broadcast %mul3A_131 : f32 to vector<16xf32>
        %mul3A_133 = arith.mulf %scan3A_129#0, %mul3A_132 : vector<16xf32>
        %mul3A_134 = arith.constant 1.562500e-02 : f32
        %mul3A_135 = vector.broadcast %mul3A_134 : f32 to vector<16xf32>
        %mul3A_136 = arith.mulf %scan3A_129#1, %mul3A_135 : vector<16xf32>
        %mul3A_137 = arith.mulf %mul3A_133, %mul3A_133 : vector<16xf32>
        %sub3A = arith.subf %mul3A_136, %mul3A_137 : vector<16xf32>
        %add3A_138 = arith.constant 9.99999996E-13 : f32
        %add3A_139 = vector.broadcast %add3A_138 : f32 to vector<16xf32>
        %add3A_140 = arith.addf %sub3A, %add3A_139 : vector<16xf32>
        %broadcast_in_dim3A_141 = arith.constant 1597463007 : i32
        %broadcast_in_dim3A_142 = vector.broadcast %broadcast_in_dim3A_141 : i32 to vector<16xi32>
        %bitcast3A = vector.bitcast %add3A_140 : vector<16xf32> to vector<16xi32>
        %shift_right_logical3A = arith.constant 1 : i32
        %shift_right_logical3A_143 = vector.broadcast %shift_right_logical3A : i32 to vector<16xi32>
        %shift_right_logical3A_144 = arith.shrui %bitcast3A, %shift_right_logical3A_143 : vector<16xi32>
        %sub3A_145 = arith.subi %broadcast_in_dim3A_142, %shift_right_logical3A_144 : vector<16xi32>
        %bitcast3A_146 = vector.bitcast %sub3A_145 : vector<16xi32> to vector<16xf32>
        %mul3A_147 = arith.constant 5.000000e-01 : f32
        %mul3A_148 = vector.broadcast %mul3A_147 : f32 to vector<16xf32>
        %mul3A_149 = arith.mulf %mul3A_148, %add3A_140 : vector<16xf32>
        %mul3A_150 = arith.mulf %mul3A_149, %bitcast3A_146 : vector<16xf32>
        %mul3A_151 = arith.mulf %mul3A_150, %bitcast3A_146 : vector<16xf32>
        %sub3A_152 = arith.constant 1.500000e+00 : f32
        %sub3A_153 = vector.broadcast %sub3A_152 : f32 to vector<16xf32>
        %sub3A_154 = arith.subf %sub3A_153, %mul3A_151 : vector<16xf32>
        %mul3A_155 = arith.mulf %bitcast3A_146, %sub3A_154 : vector<16xf32>
        %mul3A_156 = arith.constant 5.000000e-01 : f32
        %mul3A_157 = vector.broadcast %mul3A_156 : f32 to vector<16xf32>
        %mul3A_158 = arith.mulf %mul3A_157, %add3A_140 : vector<16xf32>
        %mul3A_159 = arith.mulf %mul3A_158, %mul3A_155 : vector<16xf32>
        %mul3A_160 = arith.mulf %mul3A_159, %mul3A_155 : vector<16xf32>
        %sub3A_161 = arith.constant 1.500000e+00 : f32
        %sub3A_162 = vector.broadcast %sub3A_161 : f32 to vector<16xf32>
        %sub3A_163 = arith.subf %sub3A_162, %mul3A_160 : vector<16xf32>
        %mul3A_164 = arith.mulf %mul3A_155, %sub3A_163 : vector<16xf32>
        %scan3A_165 = arith.constant 0 : i32
        %scan3A_166 = arith.constant 0 : i32
        %scan3A_167 = arith.constant 64 : i32
        %scan3A_168 = arith.addi %scan3A_166, %scan3A_167 : i32
        %scan3A_169 = arith.constant 4 : i32
        scf.for %scan3A_171 = %scan3A_166 to %scan3A_168 step %scan3A_169  : i32 {
          %broadcast_in_dim3A_172 = vector.broadcast %scan3A_171 : i32 to vector<16xi32>
          %mul3A_173 = arith.constant 1024 : i32
          %mul3A_174 = arith.muli %scan3A_103, %mul3A_173 : i32
          %add3A_175 = arith.constant 25600 : i32
          %add3A_176 = arith.addi %add3A_175, %mul3A_174 : i32
          %mul3A_177 = arith.constant 16 : i32
          %mul3A_178 = arith.muli %scan3A_171, %mul3A_177 : i32
          %add3A_179 = arith.addi %add3A_176, %mul3A_178 : i32
          %get3A_180 = arith.index_cast %add3A_179 : i32 to index
          %get3A_181 = tpu.vector_load %arg12[%get3A_180] {strides = array<i32>} : memref<66560xf32, #tpu.memory_space<vmem>>, vector<16xf32>,
          %gather3A = tpu.vector_load_idx %arg15[%broadcast_in_dim3A_172] : memref<128xf32, #tpu.memory_space<vmem>>[vector<16xi32>], vector<16xf32>,
          %add3A_182 = arith.constant 64 : i32
          %add3A_183 = vector.broadcast %add3A_182 : i32 to vector<16xi32>
          %add3A_184 = arith.addi %broadcast_in_dim3A_172, %add3A_183 : vector<16xi32>
          %gather3A_185 = tpu.vector_load_idx %arg15[%add3A_184] : memref<128xf32, #tpu.memory_space<vmem>>[vector<16xi32>], vector<16xf32>,
          %sub3A_186 = arith.subf %get3A_181, %mul3A_133 : vector<16xf32>
          %mul3A_187 = arith.mulf %sub3A_186, %mul3A_164 : vector<16xf32>
          %mul3A_188 = arith.mulf %mul3A_187, %gather3A : vector<16xf32>
          %add3A_189 = arith.addf %mul3A_188, %gather3A_185 : vector<16xf32>
          tpu.vector_store_idx %arg11[%add3A_107, %broadcast_in_dim3A_172], %add3A_189 : memref<640x64xf32, #tpu.memory_space<vmem>>[vector<16xi32>, vector<16xi32>], vector<16xf32>,
          %scan3A_190 = arith.constant 1 : i32
          %scan3A_191 = arith.addi %scan3A_171, %scan3A_190 : i32
          %broadcast_in_dim3A_192 = vector.broadcast %scan3A_191 : i32 to vector<16xi32>
          %mul3A_193 = arith.constant 1024 : i32
          %mul3A_194 = arith.muli %scan3A_103, %mul3A_193 : i32
          %add3A_195 = arith.constant 25600 : i32
          %add3A_196 = arith.addi %add3A_195, %mul3A_194 : i32
          %mul3A_197 = arith.constant 16 : i32
          %mul3A_198 = arith.muli %scan3A_191, %mul3A_197 : i32
          %add3A_199 = arith.addi %add3A_196, %mul3A_198 : i32
          %get3A_200 = arith.index_cast %add3A_199 : i32 to index
          %get3A_201 = tpu.vector_load %arg12[%get3A_200] {strides = array<i32>} : memref<66560xf32, #tpu.memory_space<vmem>>, vector<16xf32>,
          %gather3A_202 = tpu.vector_load_idx %arg15[%broadcast_in_dim3A_192] : memref<128xf32, #tpu.memory_space<vmem>>[vector<16xi32>], vector<16xf32>,
          %add3A_203 = arith.constant 64 : i32
          %add3A_204 = vector.broadcast %add3A_203 : i32 to vector<16xi32>
          %add3A_205 = arith.addi %broadcast_in_dim3A_192, %add3A_204 : vector<16xi32>
          %gather3A_206 = tpu.vector_load_idx %arg15[%add3A_205] : memref<128xf32, #tpu.memory_space<vmem>>[vector<16xi32>], vector<16xf32>,
          %sub3A_207 = arith.subf %get3A_201, %mul3A_133 : vector<16xf32>
          %mul3A_208 = arith.mulf %sub3A_207, %mul3A_164 : vector<16xf32>
          %mul3A_209 = arith.mulf %mul3A_208, %gather3A_202 : vector<16xf32>
          %add3A_210 = arith.addf %mul3A_209, %gather3A_206 : vector<16xf32>
          tpu.vector_store_idx %arg11[%add3A_107, %broadcast_in_dim3A_192], %add3A_210 : memref<640x64xf32, #tpu.memory_space<vmem>>[vector<16xi32>, vector<16xi32>], vector<16xf32>,
          %scan3A_211 = arith.constant 2 : i32
          %scan3A_212 = arith.addi %scan3A_171, %scan3A_211 : i32
          %broadcast_in_dim3A_213 = vector.broadcast %scan3A_212 : i32 to vector<16xi32>
          %mul3A_214 = arith.constant 1024 : i32
          %mul3A_215 = arith.muli %scan3A_103, %mul3A_214 : i32
          %add3A_216 = arith.constant 25600 : i32
          %add3A_217 = arith.addi %add3A_216, %mul3A_215 : i32
          %mul3A_218 = arith.constant 16 : i32
          %mul3A_219 = arith.muli %scan3A_212, %mul3A_218 : i32
          %add3A_220 = arith.addi %add3A_217, %mul3A_219 : i32
          %get3A_221 = arith.index_cast %add3A_220 : i32 to index
          %get3A_222 = tpu.vector_load %arg12[%get3A_221] {strides = array<i32>} : memref<66560xf32, #tpu.memory_space<vmem>>, vector<16xf32>,
          %gather3A_223 = tpu.vector_load_idx %arg15[%broadcast_in_dim3A_213] : memref<128xf32, #tpu.memory_space<vmem>>[vector<16xi32>], vector<16xf32>,
          %add3A_224 = arith.constant 64 : i32
          %add3A_225 = vector.broadcast %add3A_224 : i32 to vector<16xi32>
          %add3A_226 = arith.addi %broadcast_in_dim3A_213, %add3A_225 : vector<16xi32>
          %gather3A_227 = tpu.vector_load_idx %arg15[%add3A_226] : memref<128xf32, #tpu.memory_space<vmem>>[vector<16xi32>], vector<16xf32>,
          %sub3A_228 = arith.subf %get3A_222, %mul3A_133 : vector<16xf32>
          %mul3A_229 = arith.mulf %sub3A_228, %mul3A_164 : vector<16xf32>
          %mul3A_230 = arith.mulf %mul3A_229, %gather3A_223 : vector<16xf32>
          %add3A_231 = arith.addf %mul3A_230, %gather3A_227 : vector<16xf32>
          tpu.vector_store_idx %arg11[%add3A_107, %broadcast_in_dim3A_213], %add3A_231 : memref<640x64xf32, #tpu.memory_space<vmem>>[vector<16xi32>, vector<16xi32>], vector<16xf32>,
          %scan3A_232 = arith.constant 3 : i32
          %scan3A_233 = arith.addi %scan3A_171, %scan3A_232 : i32
          %broadcast_in_dim3A_234 = vector.broadcast %scan3A_233 : i32 to vector<16xi32>
          %mul3A_235 = arith.constant 1024 : i32
          %mul3A_236 = arith.muli %scan3A_103, %mul3A_235 : i32
          %add3A_237 = arith.constant 25600 : i32
          %add3A_238 = arith.addi %add3A_237, %mul3A_236 : i32
          %mul3A_239 = arith.constant 16 : i32
          %mul3A_240 = arith.muli %scan3A_233, %mul3A_239 : i32
          %add3A_241 = arith.addi %add3A_238, %mul3A_240 : i32
          %get3A_242 = arith.index_cast %add3A_241 : i32 to index
          %get3A_243 = tpu.vector_load %arg12[%get3A_242] {strides = array<i32>} : memref<66560xf32, #tpu.memory_space<vmem>>, vector<16xf32>,
          %gather3A_244 = tpu.vector_load_idx %arg15[%broadcast_in_dim3A_234] : memref<128xf32, #tpu.memory_space<vmem>>[vector<16xi32>], vector<16xf32>,
          %add3A_245 = arith.constant 64 : i32
          %add3A_246 = vector.broadcast %add3A_245 : i32 to vector<16xi32>
          %add3A_247 = arith.addi %broadcast_in_dim3A_234, %add3A_246 : vector<16xi32>
          %gather3A_248 = tpu.vector_load_idx %arg15[%add3A_247] : memref<128xf32, #tpu.memory_space<vmem>>[vector<16xi32>], vector<16xf32>,
          %sub3A_249 = arith.subf %get3A_243, %mul3A_133 : vector<16xf32>
          %mul3A_250 = arith.mulf %sub3A_249, %mul3A_164 : vector<16xf32>
          %mul3A_251 = arith.mulf %mul3A_250, %gather3A_244 : vector<16xf32>
          %add3A_252 = arith.addf %mul3A_251, %gather3A_248 : vector<16xf32>
          tpu.vector_store_idx %arg11[%add3A_107, %broadcast_in_dim3A_234], %add3A_252 : memref<640x64xf32, #tpu.memory_space<vmem>>[vector<16xi32>, vector<16xi32>], vector<16xf32>,
        }
        %scan3A_170 = arith.constant 64 : i32
      }
      %scan3A_102 = arith.constant 40 : i32
      "tpu.region"() ({
        %run_scoped3A = tpu.sem_alloc : memref<!tpu.dma_semaphore, #tpu.memory_space<semaphore_mem>>
        %dma_start3A_103 = arith.constant 0 : i32
        %dma_start3A_104 = tpu.memref_slice %arg8[%add3A_18, %dma_start3A_103] : memref<204800x64xf32, #tpu.memory_space<hbm>> -> memref<640x64xf32, #tpu.memory_space<hbm>>
        %dma_start3A_105 = arith.constant 0 : i32
        %dma_start3A_106 = tpu.memref_slice %arg8[%add3A_18, %dma_start3A_105] : memref<204800x64xf32, #tpu.memory_space<hbm>> -> memref<640x64xf32, #tpu.memory_space<hbm>>
        tpu.enqueue_dma source(%arg11 : memref<640x64xf32, #tpu.memory_space<vmem>>) target(%dma_start3A_106 : memref<640x64xf32, #tpu.memory_space<hbm>>) target_semaphore(%run_scoped3A : memref<!tpu.dma_semaphore, #tpu.memory_space<semaphore_mem>>)
        %dma_wait3A_107 = arith.constant 0 : i32
        %dma_wait3A_108 = tpu.memref_slice %arg8[%add3A_18, %dma_wait3A_107] : memref<204800x64xf32, #tpu.memory_space<hbm>> -> memref<640x64xf32, #tpu.memory_space<hbm>>
        %dma_wait3A_109 = arith.constant 0 : i32
        %dma_wait3A_110 = tpu.memref_slice %arg8[%add3A_18, %dma_wait3A_109] : memref<204800x64xf32, #tpu.memory_space<hbm>> -> memref<640x64xf32, #tpu.memory_space<hbm>>
        tpu.wait_dma2 semaphore(%run_scoped3A : memref<!tpu.dma_semaphore, #tpu.memory_space<semaphore_mem>>) src(%arg11 : memref<640x64xf32, #tpu.memory_space<vmem>>) dst(%dma_wait3A_110 : memref<640x64xf32, #tpu.memory_space<hbm>>)
        tpu.yield
      }) : () -> ()
    }
    %scan3A_12 = arith.constant 10 : i32
    return
  }
}

</mosaic_0001>

<sc_bundles>
// kernel: kernel.3.cloned.1.call-start
scs
__scs_entry_jumppad:
0x0: {  	(pc) =	sbr.rel $0x88, $3  }
0x1: {  	(tag) =	ssettag $0x0;
	lr =	simm.s32 $0x1  }
0x2: {  	[smem:$0x3F9A] =	sst lr;
	_ =	strace $0xD0000000  }
0x3: {  	_ = 	snop  }
0x4: {  	_ = 	snop  }
0x5: {  	_ = 	snop  }
0x6: {  	_ = 	snop  }
0x7: {  	_ = 	snop  }
__scs_overlays_trampoline_lowered:
0x8: {  	[smem:$0x3FA9] =	sst s0  }
0x9: {  	[smem:$0x3FAA] =	sst s1  }
0xa: {  	[smem:$0x3FAB] =	sst s2  }
0xb: {  	[smem:$0x3FAC] =	sst s3  }
0xc: {  	[smem:$0x3FAD] =	sst s4  }
0xd: {  	[smem:$0x3FAE] =	sst s5  }
0xe: {  	[smem:$0x3FAF] =	sst s6  }
0xf: {  	[smem:$0x3FB0] =	sst s7  }
0x10: {  	[smem:$0x3FB1] =	sst s8  }
0x11: {  	[smem:$0x3FB2] =	sst s9;
	s0 =	simm.s32 @!p0 $0x0  }
0x12: {  	s1 =	sld [smem:$0x3F98];
	s0 =	simm.s32 @p0 $0x1  }
0x13: {  	[smem:$0x3FB3] =	sst s0;
	s0 =	simm.s32 @!p1 $0x0  }
0x14: {  	s2 =	sld [smem:$0x3F97];
	s0 =	simm.s32 @p1 $0x1  }
0x15: {  	[smem:$0x3FB4] =	sst s0;
	s0 =	simm.s32 @!p2 $0x0  }
0x16: {  	s3 =	sld [smem:$0x3FDB];
	s0 =	simm.s32 @p2 $0x1  }
0x17: {  	s4 =	simm.s32 $0x1BF5;
	[smem:$0x3FB6] =	sst s0  }
0x18: {  	s0 =	sld [smem:$0x3F99];
	_ =	swait.ge [sflag:s4], $0x0  }
0x19: {  	s7 =	sld [smem:$0x3F9A]  }
0x1a: {  	s8 =	sadd.s32 $0xFFFFE003, lr  }
0x1b: {  	s9 =	sadd.s32 $0xFFFFFEF7, lr;
	s5 =	simm.s32 $0xFFFFFFFF;
	p2 =	slt.u32 s8, $0xFFFFF086  }
0x1c: {  	p1 =	slt.u32 s9, $0xF7A;
	s5 =	simm.s32 @!p2 $0x0  }
0x1d: {  	s5 =	simm.s32 @p1 $0x1;
	p0 =	seq.s32 s7, s2  }
0x1e: {  	s7 =	smul.u32 @!p0 $0xF7A, s2;
	p2 =	seq.s32 @!p0 s5, $0x0  }
0x1f: {  	s9 =	smul.u32 $0xF7A, s1;
	s8 =	simm.s32 @!p0 $0x1BF5;
	p2 =	por !p2, p0  }
0x20: {  	[sflag:s8] =	ssyncset.s32 @!p0 $0xFFFFF086;
	s6 =	sadd.s32 @!p0 s3, s7;
	s7 =	simm.s32 @!p0 $0x108  }
0x21: {  	s3 =	sadd.s32 s3, s9;
	s6 =	sadd.s32 @!p0 $0x88, s6;
	s7 =	simm.s32 @p2 $0x1082  }
0x22: {  	[simem:s7], [sflag:s8] =	dma.local @!p0 [hbm:s6], $0xF7A  }
0x23: {  	s9 =	sor.u32 $0xD0000000, s2;
	s6 =	simm.s32 $0x108;
	_ =	swait.ge @!p0 [sflag:s8], $0x0  }
0x24: {  	s3 =	sadd.s32 $0x88, s3;
	s6 =	simm.s32 @!p1 $0x1082;
	[sflag:s4] =	ssyncset.s32 $0xFFFFF086  }
0x25: {  	[simem:s6], [sflag:s4] =	dma.local [hbm:s3], $0xF7A  }
0x26: {  	[smem:$0x3F9A] =	sst s1;
	(tag) =	ssettag s2;
	_ =	strace s9  }
0x27: {  	s1 =	sld [smem:$0x3FAA]  }
0x28: {  	s2 =	sld [smem:$0x3FAB]  }
0x29: {  	s4 =	sld [smem:$0x3FAD]  }
0x2a: {  	p0 =	seq.s32 s5, $0x0;
	s5 =	sld [smem:$0x3FAE]  }
0x2b: {  	s6 =	sld [smem:$0x3FAF]  }
0x2c: {  	s7 =	sld [smem:$0x3FB0]  }
0x2d: {  	s3 =	simm.s32 $0x108;
	s8 =	sld [smem:$0x3FB1]  }
0x2e: {  	s3 =	simm.s32 @!p0 $0x1082;
	s9 =	sld [smem:$0x3FB2]  }
0x2f: {  	lr =	sadd.s32 s0, s3;
	s0 =	sld [smem:$0x3FA9]  }
0x30: {  	s3 =	sld [smem:$0x3FAC]  }
0x31: {  	[smem:$0x3FB5] =	sst s10  }
0x32: {  	s10 =	sld [smem:$0x3FB3];
	_ =	sdelay $0x3  }
0x33: {  	p0 =	seq.s32 s10, $0x1;
	s10 =	sld [smem:$0x3FB5];
	_ =	sdelay $0x3  }
0x34: {  	[smem:$0x3FB5] =	sst s10  }
0x35: {  	s10 =	sld [smem:$0x3FB4];
	_ =	sdelay $0x3  }
0x36: {  	p1 =	seq.s32 s10, $0x1;
	s10 =	sld [smem:$0x3FB5];
	_ =	sdelay $0x3  }
0x37: {  	[smem:$0x3FB5] =	sst s10  }
0x38: {  	s10 =	sld [smem:$0x3FB6]  }
0x39: {  	_ = 	snop;
	(pc) =	sbr.ind lr, $3  }
0x3a: {  	_ = 	snop  }
0x3b: {  	_ = 	snop  }
0x3c: {  	p2 =	seq.s32 s10, $0x1;
	s10 =	sld [smem:$0x3FB5]  }
0x3d: {  	_ =	shalt  }
0x3e: {  	_ =	shalt  }
0x3f: {  	_ =	shalt  }
0x40: {  	_ =	shalt  }
0x41: {  	_ =	shalt  }
0x42: {  	_ =	shalt  }
0x43: {  	_ =	shalt  }
0x44: {  	_ =	shalt  }
0x45: {  	_ =	shalt  }
0x46: {  	_ =	shalt  }
0x47: {  	_ =	shalt  }
0x48: {  	_ =	shalt  }
0x49: {  	_ =	shalt  }
0x4a: {  	_ =	shalt  }
0x4b: {  	_ =	shalt  }
0x4c: {  	_ =	shalt  }
0x4d: {  	_ =	shalt  }
0x4e: {  	_ =	shalt  }
0x4f: {  	_ =	shalt  }
0x50: {  	_ =	shalt  }
0x51: {  	_ =	shalt  }
0x52: {  	_ =	shalt  }
0x53: {  	_ =	shalt  }
0x54: {  	_ =	shalt  }
0x55: {  	_ =	shalt  }
0x56: {  	_ =	shalt  }
0x57: {  	_ =	shalt  }
0x58: {  	_ =	shalt  }
0x59: {  	_ =	shalt  }
0x5a: {  	_ =	shalt  }
0x5b: {  	_ =	shalt  }
0x5c: {  	_ =	shalt  }
0x5d: {  	_ =	shalt  }
0x5e: {  	_ =	shalt  }
0x5f: {  	_ =	shalt  }
0x60: {  	_ =	shalt  }
0x61: {  	_ =	shalt  }
0x62: {  	_ =	shalt  }
0x63: {  	_ =	shalt  }
0x64: {  	_ =	shalt  }
0x65: {  	_ =	shalt  }
0x66: {  	_ =	shalt  }
0x67: {  	_ =	shalt  }
0x68: {  	_ =	shalt  }
0x69: {  	_ =	shalt  }
0x6a: {  	_ =	shalt  }
0x6b: {  	_ =	shalt  }
0x6c: {  	_ =	shalt  }
0x6d: {  	_ =	shalt  }
0x6e: {  	_ =	shalt  }
0x6f: {  	_ =	shalt  }
0x70: {  	_ =	shalt  }
0x71: {  	_ =	shalt  }
0x72: {  	_ =	shalt  }
0x73: {  	_ =	shalt  }
0x74: {  	_ =	shalt  }
0x75: {  	_ =	shalt  }
0x76: {  	_ =	shalt  }
0x77: {  	_ =	shalt  }
0x78: {  	_ =	shalt  }
0x79: {  	_ =	shalt  }
0x7a: {  	_ =	shalt  }
0x7b: {  	_ =	shalt  }
0x7c: {  	_ =	shalt  }
0x7d: {  	_ =	shalt  }
0x7e: {  	_ =	shalt  }
0x7f: {  	_ =	shalt  }
0x80: {  	_ =	shalt  }
0x81: {  	_ =	shalt  }
0x82: {  	_ =	shalt  }
0x83: {  	_ =	shalt  }
0x84: {  	_ =	shalt  }
0x85: {  	_ =	shalt  }
0x86: {  	_ =	shalt  }
0x87: {  	_ =	shalt  }
.Lfunc_end0:
.L_simem_size_0:
called_computation.1_lowered:
.L_overlay_start_0:
0x88: {  	s2 =	sld [smem:$0x3FD9]  }
0x89: {  	s3 =	sld [smem:$0x3FFE];
	_ =	sdelay $0x1  }
0x8a: {  	s1 =	srdreg.scid  }
0x8b: {  	s0 =	sand.u32 $0x1, s1  }
0x8c: {  	s17 =	sshll.u32 s0, $0xA;
	s2 =	sadd.s32 s3, s2  }
0x8d: {  	s2 =	sadd.s32 s2, s17  }
0x8e: {  	[smem:$0x3FC1] =	sst s2  }
0x8f: {  	_ = 	snop  }
0x90: {  	s2 =	sld [smem:$0x3FD0];
	(tm) =	ssettm $0x1  }
0x91: {  	s18 =	sld [smem:$0x3FFB];
	_ =	sdelay $0x3  }
0x92: {  	_ =	strace s18  }
0x93: {  	s3 =	sld [smem:$0x3FFC];
	_ =	sdelay $0x3  }
0x94: {  	_ =	strace s3  }
0x95: {  	s3 =	sld [smem:$0x3FFD];
	_ =	sdelay $0x3  }
0x96: {  	_ =	strace s3  }
0x97: {  	_ =	strace $0x8FFFFFFF  }
0x98: {  	s19 =	sld [smem:$0x3FDB];
	_ =	sdelay $0x1  }
0x99: {  	s4 =	simm.s32 $_scs_section_size  }
0x9a: {  	s5 =	simm.s32 $_size__tile_overlayer_lowered;
	s6 =	simm.s32 $_tile_overlayer_lowered  }
0x9b: {  	s22 =	simm.s32 $0x1BFF;
	s21 =	sshll.u32 s6, $0x1;
	s3 =	sadd.s32 s4, s19  }
0x9c: {  	s7 =	simm.s32 $0x0;
	s20 =	sshll.u32 s5, $0x1;
	s5 =	sadd.s32 s21, s3  }
0x9d: {  	[timem:s7], [sflag:s22] =	dma.local [hbm:s5], s20  }
0x9e: {  	_ =	swait.ge [sflag:s22], s20  }
0x9f: {  	s4 =	ssub.s32 $0x0, s20;
	[sflag:s22] =	ssyncset.done $0x0  }
0xa0: {  	[sflag:s22] =	ssyncadd.s32 s4;
	_ =	sdelay $0x1  }
0xa1: {  	s23 =	simm.s32 $0x1B8B  }
0xa2: {  	_ =	swait.ge [sflag:s23], $0x1  }
0xa3: {  	[sflag:s23] =	ssyncset.done $0x0  }
0xa4: {  	s25 =	simm.s32 $0x1B8E;
	s24 =	sld [smem:$0x3FFE];
	[sflag:s23] =	ssyncadd.s32 $0xFFFFFFFF  }
0xa5: {  	s26 =	simm.s32 $execute0_lowered;
	[smem:$0x3FD2] =	sst s25  }
0xa6: {  	s5 =	sshll.u32 s26, $0x1;
	_ =	strace $0x80000046;
	[dreg:$0x1] =	wrdreg $0xFFFFFFFF  }
0xa7: {  	s28 =	simm.s32 $_size_execute0_lowered;
	s3 =	sadd.s32 s3, s5;
	[dreg:$0x0] =	wrdreg $0x0  }
0xa8: {  	s5 =	sshll.u32 s28, $0x1;
	[dreg:$0x2] =	wrdreg s3  }
0xa9: {  	[dreg:$0x3] =	wrdreg s5  }
0xaa: {  	[dreg:$0x4] =	wrdreg $0xC0  }
0xab: {  	_ =	task [dreg:s7], $0x5FFFF  }
0xac: {  	[dreg:$0x1] =	wrdreg $0xFFFFFFFF  }
0xad: {  	[dreg:$0x0] =	wrdreg $0x60  }
0xae: {  	[dreg:$0x2] =	wrdreg s24  }
0xaf: {  	[dreg:$0x3] =	wrdreg s2  }
0xb0: {  	[dreg:$0x4] =	wrdreg $0x9  }
0xb1: {  	_ =	task.clear_ibuf [dreg:s7], $0x5FFFF;
	_ =	strace $0x90000046  }
0xb2: {  	s29 =	simm.s32 $0x9;
	_ =	strace $0x80000048  }
0xb3: {  	_ =	swait.ge [sflag:s29], $0x1  }
0xb4: {  	[sflag:s29] =	ssyncadd.s32 $0xFFFFFFFF  }
0xb5: {  	_ =	strace $0x90000048  }
0xb6: {  	_ =	sfence  }
0xb7: {  	s30 =	sld [smem:$0x0];
	_ =	sdelay $0x2  }
0xb8: {  	s31 =	sshll.u32 s1, $0xD;
	s1 =	sshrl.u32 s1, $0x2  }
0xb9: {  	s3 =	sand.u32 $0x4000, s31;
	s1 =	sadd.s32 s1, s30  }
0xba: {  	s0 =	sor.u32 s3, s0;
	s1 =	sshll.u32 s1, $0x11  }
0xbb: {  	s0 =	sor.u32 s1, s0  }
0xbc: {  	s0 =	sadd.s32 $0x8F2B, s0  }
0xbd: {  	[sflag:s0] =	ssyncadd.remote.s32 $0x1  }
0xbe: {  	_ =	sfence.sel $0xFFFF  }
0xbf: {  	[dreg:$0x0] =	wrdreg $0xFFFFFFFF;
	(pc) =	sbr.abs _section_cstart, $3  }
0xc0: {  	[dreg:$0x1] =	wrdreg $0xFFFFFFFF  }
0xc1: {  	_ =	task.clear_ibuf [dreg:s7], $0x2FFFF;
	_ =	strace $0x9FFFFFFF  }
0xc2: {  	(tm) =	ssettm $0x7FFFFFFF  }
0xc3: {  	_ =	shalt  }
tec
execute0_lowered:
.L_overlay_start_1:
0x0: {  	(tag) =	ssettag $0x1  }
0x1: {  	s0 =	rddreg [dreg:$0x0]  }
0x2: {  	s1 =	rddreg [dreg:$0x1]  }
0x3: {  	s2 =	simm.s32 $0x0;
	s3 =	srdreg.scid;
	s8 =	stileid.u32  }
0x4: {  	s13 =	simm.s32 $0x2;
	s15 =	simm.s32 $0x1DB80;
	s16 =	simm.s32 $0x280  }
0x5: {  	s17 =	simm.s32 $0x80;
	s18 =	simm.s32 $0x500;
	s19 =	simm.s32 $0x2500  }
0x6: {  	s20 =	simm.s32 $0x100;
	s21 =	simm.s32 $0x4500;
	s22 =	simm.s32 $0x180  }
0x7: {  	s23 =	simm.s32 $0x6500;
	s24 =	simm.s32 $0x200;
	s25 =	simm.s32 $0x8500  }
0x8: {  	s28 =	simm.s32 $0xA500;
	s30 =	simm.s32 $0x0;
	[smem:$0x7FF] =	sst s2  }
0x9: {  	s4 =	sadd.s32 $0x7800, s0;
	s5 =	sadd.s32 $0x1400, s0;
	s6 =	sadd.s32 $0xF43800, s0  }
0xa: {  	s3 =	sand.u32 $0x1, s3;
	s7 =	sadd.s32 $0x11C00, s0;
	s8 =	sshll.u32 s8, $0x1  }
0xb: {  	s9 =	sadd.s32 $0xDC00, s0;
	s0 =	sadd.s32 $0x11E00, s0;
	s26 =	ssub.s32 $0x2, s3  }
0xc: {  	_ =	strace $0x80000047;
	[dreg:$0x3] =	wrdreg s7;
	s29 =	sshrl.u32 s26, $0x1  }
0xd: {  	[dreg:$0x4] =	wrdreg s9;
	s3 =	sor.u32 s3, s8;
	s31 =	ssub.s32 s26, s29  }
0xe: {  	[dreg:$0x5] =	wrdreg s0;
	s10 =	smul.u32 $0x1900, s3;
	s0 =	smax.u32 s31, $0x1  }
0xf: {  	v0 =	vlaneseq.u32;
	s3 =	simm.s32 $0x0;
	s26 =	simm.s32 $0x1;
	[dreg:$0x6] =	wrdreg s0  }
.LBB2_1:
0x10: {  	[dreg:$0x7] =	wrdreg s3  }
0x11: {  	s0 =	rddreg [dreg:$0x4];
	s11 =	simm.s32 $0x1A900  }
0x12: {  	[tilespmem:s11], [sflag:$0x2] =	stream.linear.gather [hbm4b:s0+s2], $0x3200, $0x38;
	[tilespmem:$0x1DC00] =	vst v63  }
0x13: {  	_ =	swait.ge [sflag:s13], $0x3200  }
0x14: {  	[sflag:s13] =	ssyncset.done $0x0  }
0x15: {  	s14 =	simm.s32 $0x1DB00;
	s12 =	rddreg [dreg:$0x3];
	[sflag:s13] =	ssyncadd.s32 $0xFFFFCE00  }
0x16: {  	[tilespmem:s14], [sflag:$0x2] =	stream.linear.gather [hbm4b:s12+s2], $0x80, $0x38;
	[tilespmem:$0x1DC00] =	vst v63  }
0x17: {  	_ =	swait.ge [sflag:s13], $0x80  }
0x18: {  	[sflag:s13] =	ssyncset.done $0x0  }
0x19: {  	s29 =	rddreg [dreg:$0x5];
	[sflag:s13] =	ssyncadd.s32 $0xFFFFFF80  }
0x1a: {  	[tilespmem:s15], [sflag:$0x2] =	stream.linear.gather [hbm4b:s29+s2], $0x80, $0x38;
	[tilespmem:$0x1DC00] =	vst v63  }
0x1b: {  	_ =	swait.ge [sflag:s13], $0x80  }
0x1c: {  	[sflag:s13] =	ssyncset.done $0x0  }
0x1d: {  	s31 =	simm.s32 $0x0;
	[sflag:s13] =	ssyncadd.s32 $0xFFFFFF80  }
0x1e: {  	v1 =	vld [tilespmem:s31+$0x1A900]  }
0x1f: {  	v2 =	vld [tilespmem:$0x1DB00];
	_ =	sdelay $0x4  }
0x20: {  	v2 =	vadd.f32 v2, v1  }
0x21: {  	s0 =	simm.s32 $0xA540  }
0x22: {  	[tilespmem:s0+$0xFFFFFFC0] =	vst v2  }
0x23: {  	v2 =	vld [tilespmem:$0x1DB40];
	_ =	sdelay $0x4  }
0x24: {  	v1 =	vadd.f32 v2, v1;
	_ =	sdelay $0x1  }
0x25: {  	[tilespmem:s0+$0x0] =	vst v1  }
0x26: {  	v1 =	vld [tilespmem:s31+$0x1A910]  }
0x27: {  	v2 =	vld [tilespmem:$0x1DB10];
	_ =	sdelay $0x4  }
0x28: {  	v2 =	vadd.f32 v2, v1;
	_ =	sdelay $0x1  }
0x29: {  	[tilespmem:s0+$0xFFFFFFD0] =	vst v2  }
0x2a: {  	v2 =	vld [tilespmem:$0x1DB50];
	_ =	sdelay $0x4  }
0x2b: {  	v1 =	vadd.f32 v2, v1;
	_ =	sdelay $0x1  }
0x2c: {  	[tilespmem:s0+$0x10] =	vst v1  }
0x2d: {  	v1 =	vld [tilespmem:s31+$0x1A920]  }
0x2e: {  	v2 =	vld [tilespmem:$0x1DB20];
	_ =	sdelay $0x4  }
0x2f: {  	v2 =	vadd.f32 v2, v1;
	_ =	sdelay $0x1  }
0x30: {  	[tilespmem:s0+$0xFFFFFFE0] =	vst v2  }
0x31: {  	v2 =	vld [tilespmem:$0x1DB60];
	_ =	sdelay $0x4  }
0x32: {  	v1 =	vadd.f32 v2, v1;
	_ =	sdelay $0x1  }
0x33: {  	[tilespmem:s0+$0x20] =	vst v1  }
0x34: {  	v1 =	vld [tilespmem:s31+$0x1A930]  }
0x35: {  	v2 =	vld [tilespmem:$0x1DB30];
	_ =	sdelay $0x4  }
0x36: {  	v2 =	vadd.f32 v2, v1;
	_ =	sdelay $0x1  }
0x37: {  	[tilespmem:s0+$0xFFFFFFF0] =	vst v2  }
0x38: {  	v2 =	vld [tilespmem:$0x1DB70];
	_ =	sdelay $0x4  }
0x39: {  	v1 =	vadd.f32 v2, v1;
	_ =	sdelay $0x1  }
0x3a: {  	s3 =	simm.s32 $0x40;
	[tilespmem:s0+$0x30] =	vst v1  }
0x3b: {  	v1 =	vld [tilespmem:s3+$0x1A900]  }
0x3c: {  	v2 =	vld [tilespmem:$0x1DB00];
	_ =	sdelay $0x1  }
0x3d: {  	s7 =	simm.s32 $0x200  }
.LBB2_2:
0x3e: {  	p0 =	sne.s32 s7, $0xC700;
	_ =	sdelay $0x1  }
0x3f: {  	v2 =	vadd.f32 v2, v1  }
0x40: {  	s0 =	sadd.s32 $0x80, s0  }
0x41: {  	[tilespmem:s0+$0xFFFFFFC0] =	vst v2  }
0x42: {  	v2 =	vld [tilespmem:$0x1DB40];
	_ =	sdelay $0x4  }
0x43: {  	v1 =	vadd.f32 v2, v1;
	_ =	sdelay $0x1  }
0x44: {  	[tilespmem:s0+$0x0] =	vst v1  }
0x45: {  	v1 =	vld [tilespmem:s3+$0x1A910]  }
0x46: {  	v2 =	vld [tilespmem:$0x1DB10];
	_ =	sdelay $0x4  }
0x47: {  	v2 =	vadd.f32 v2, v1;
	_ =	sdelay $0x1  }
0x48: {  	[tilespmem:s0+$0xFFFFFFD0] =	vst v2  }
0x49: {  	v2 =	vld [tilespmem:$0x1DB50];
	_ =	sdelay $0x4  }
0x4a: {  	v1 =	vadd.f32 v2, v1;
	_ =	sdelay $0x1  }
0x4b: {  	[tilespmem:s0+$0x10] =	vst v1  }
0x4c: {  	v1 =	vld [tilespmem:s3+$0x1A920]  }
0x4d: {  	v2 =	vld [tilespmem:$0x1DB20];
	_ =	sdelay $0x4  }
0x4e: {  	v2 =	vadd.f32 v2, v1;
	_ =	sdelay $0x1  }
0x4f: {  	[tilespmem:s0+$0xFFFFFFE0] =	vst v2  }
0x50: {  	v2 =	vld [tilespmem:$0x1DB60];
	_ =	sdelay $0x4  }
0x51: {  	v1 =	vadd.f32 v2, v1;
	_ =	sdelay $0x1  }
0x52: {  	[tilespmem:s0+$0x20] =	vst v1  }
0x53: {  	v1 =	vld [tilespmem:s3+$0x1A930]  }
0x54: {  	v2 =	vld [tilespmem:$0x1DB30];
	_ =	sdelay $0x4  }
0x55: {  	v2 =	vadd.f32 v2, v1;
	_ =	sdelay $0x1  }
0x56: {  	[tilespmem:s0+$0xFFFFFFF0] =	vst v2  }
0x57: {  	v2 =	vld [tilespmem:$0x1DB70];
	_ =	sdelay $0x4  }
0x58: {  	v1 =	vadd.f32 v2, v1;
	_ =	sdelay $0x1  }
.Ltmp0:
0x59: {  	s3 =	sshra.s32 s7, $0x2;
	[tilespmem:s0+$0x30] =	vst v1;
	(pc) =	sbr.rel @p0 .LBB2_2-.Ltmp0, $3  }
0x5a: {  	v1 =	vld [tilespmem:s3+$0x1A900]  }
0x5b: {  	v2 =	vld [tilespmem:$0x1DB00];
	_ =	sdelay $0x1  }
0x5c: {  	s7 =	sadd.s32 $0x100, s7  }
0x5d: {  	_ =	sdelay $0x1  }
0x5e: {  	v2 =	vadd.f32 v2, v1  }
0x5f: {  	s0 =	sadd.s32 $0x80, s0  }
0x60: {  	[tilespmem:s0+$0xFFFFFFC0] =	vst v2  }
0x61: {  	v2 =	vld [tilespmem:$0x1DB40];
	_ =	sdelay $0x4  }
0x62: {  	v1 =	vadd.f32 v2, v1;
	_ =	sdelay $0x1  }
0x63: {  	[tilespmem:s0+$0x0] =	vst v1  }
0x64: {  	v1 =	vld [tilespmem:s3+$0x1A910]  }
0x65: {  	v2 =	vld [tilespmem:$0x1DB10];
	_ =	sdelay $0x4  }
0x66: {  	v2 =	vadd.f32 v2, v1;
	_ =	sdelay $0x1  }
0x67: {  	[tilespmem:s0+$0xFFFFFFD0] =	vst v2  }
0x68: {  	v2 =	vld [tilespmem:$0x1DB50];
	_ =	sdelay $0x4  }
0x69: {  	v1 =	vadd.f32 v2, v1;
	_ =	sdelay $0x1  }
0x6a: {  	[tilespmem:s0+$0x10] =	vst v1  }
0x6b: {  	v1 =	vld [tilespmem:s3+$0x1A920]  }
0x6c: {  	v2 =	vld [tilespmem:$0x1DB20];
	_ =	sdelay $0x4  }
0x6d: {  	v2 =	vadd.f32 v2, v1;
	_ =	sdelay $0x1  }
0x6e: {  	[tilespmem:s0+$0xFFFFFFE0] =	vst v2  }
0x6f: {  	v2 =	vld [tilespmem:$0x1DB60];
	_ =	sdelay $0x4  }
0x70: {  	v1 =	vadd.f32 v2, v1;
	_ =	sdelay $0x1  }
0x71: {  	[tilespmem:s0+$0x20] =	vst v1  }
0x72: {  	v1 =	vld [tilespmem:s3+$0x1A930]  }
0x73: {  	v2 =	vld [tilespmem:$0x1DB30];
	_ =	sdelay $0x4  }
0x74: {  	v2 =	vadd.f32 v2, v1;
	_ =	sdelay $0x1  }
0x75: {  	[tilespmem:s0+$0xFFFFFFF0] =	vst v2  }
0x76: {  	v2 =	vld [tilespmem:$0x1DB70];
	_ =	sdelay $0x4  }
0x77: {  	v1 =	vadd.f32 v2, v1;
	_ =	sdelay $0x1  }
0x78: {  	s31 =	simm.s32 $0x0;
	[tilespmem:s0+$0x30] =	vst v1  }
.LBB2_4:
0x79: {  	s0 =	smul.u32 $0x280, s31;
	_ =	sdelay $0x1  }
0x7a: {  	s0 =	sadd.s32 s10, s0  }
0x7b: {  	s3 =	sshrl.u32 s0, $0x3  }
0x7c: {  	s7 =	sadd.s32 s4, s3  }
0x7d: {  	[tilespmem:s30], [sflag:$0x2] =	stream.linear.gather [hbm4b:s7+s30], $0x280, $0x38;
	[tilespmem:$0x1DC00] =	vst v63  }
0x7e: {  	_ =	swait.ge [sflag:s13], $0x280  }
0x7f: {  	[sflag:s13] =	ssyncset.done $0x0  }
0x80: {  	s3 =	sadd.s32 s5, s3;
	[sflag:s13] =	ssyncadd.s32 $0xFFFFFD80  }
0x81: {  	[tilespmem:s16], [sflag:$0x2] =	stream.linear.gather [hbm4b:s3+s30], $0x280, $0x38;
	[tilespmem:$0x1DC00] =	vst v63  }
0x82: {  	_ =	swait.ge [sflag:s13], $0x280  }
0x83: {  	[sflag:s13] =	ssyncset.done $0x0  }
0x84: {  	[sflag:s13] =	ssyncadd.s32 $0xFFFFFD80  }
0x85: {  	[tilespmem:s18], [sflag:$0x1] =	stream.indirect.gather [hbm4b:s6+s17], $0x40, s30, s17, $0xb8;
	[tilespmem:$0x1DC00] =	vst v63  }
0x86: {  	_ = 	snop  }
0x87: {  	[tilespmem:s19], [sflag:$0x1] =	stream.indirect.gather [hbm4b:s6+s17], $0x40, s17, s17, $0xb8;
	[tilespmem:$0x1DC00] =	vst v63  }
0x88: {  	_ = 	snop  }
0x89: {  	[tilespmem:s21], [sflag:$0x1] =	stream.indirect.gather [hbm4b:s6+s17], $0x40, s20, s17, $0xb8;
	[tilespmem:$0x1DC00] =	vst v63  }
0x8a: {  	_ = 	snop  }
0x8b: {  	[tilespmem:s23], [sflag:$0x1] =	stream.indirect.gather [hbm4b:s6+s17], $0x40, s22, s17, $0xb8;
	[tilespmem:$0x1DC00] =	vst v63  }
0x8c: {  	_ = 	snop  }
0x8d: {  	[tilespmem:s25], [sflag:$0x1] =	stream.indirect.gather [hbm4b:s6+s17], $0x40, s24, s17, $0xb8;
	[tilespmem:$0x1DC00] =	vst v63  }
0x8e: {  	_ =	swait.ge [sflag:s26], $0x2000  }
0x8f: {  	[sflag:s26] =	ssyncset.done $0x0  }
0x90: {  	[sflag:s26] =	ssyncadd.s32 $0xFFFFE000  }
0x91: {  	_ =	swait.ge [sflag:s26], $0x2000  }
0x92: {  	[sflag:s26] =	ssyncset.done $0x0  }
0x93: {  	[sflag:s26] =	ssyncadd.s32 $0xFFFFE000  }
0x94: {  	_ =	swait.ge [sflag:s26], $0x2000  }
0x95: {  	[sflag:s26] =	ssyncset.done $0x0  }
0x96: {  	[sflag:s26] =	ssyncadd.s32 $0xFFFFE000  }
0x97: {  	_ =	swait.ge [sflag:s26], $0x2000  }
0x98: {  	[sflag:s26] =	ssyncset.done $0x0  }
0x99: {  	[sflag:s26] =	ssyncadd.s32 $0xFFFFE000  }
0x9a: {  	_ =	swait.ge [sflag:s26], $0x2000  }
0x9b: {  	[sflag:s26] =	ssyncset.done $0x0  }
0x9c: {  	s9 =	simm.s32 $0x10930;
	s12 =	simm.s32 $0x0;
	v1 =	vmov s0;
	[sflag:s26] =	ssyncadd.s32 $0xFFFFE000  }
.LBB2_5:
0x9d: {  	s3 =	sshll.u32 s12, $0x4  }
0x9e: {  	v2 =	vor.u32 s3, v0  }
0x9f: {  	v3 =	vadd.s32 v1, v2  }
0xa0: {  	v4 =	vmulhi.u32 $0x51EB851F, v3  }
0xa1: {  	v5 =	vld [tilespmem:s3+$0x280]  }
0xa2: {  	v4 =	vshrl.u32 v4, $0x6  }
0xa3: {  	v4 =	vmul.u32 $0xC8, v4;
	_ =	sdelay $0x1  }
0xa4: {  	v3 =	vsub.s32 v3, v4  }
0xa5: {  	s8 =	simm.s32 $0x0;
	v2 =	vshll.u32 v2, $0x6;
	v4 =	vshll.u32 v5, $0x6;
	v3 =	vshll.u32 v3, $0x7  }
0xa6: {  	v3 =	vadd.s32 v3, v4;
	v4 =	vor.u32 s8, v2  }
0xa7: {  	v5 =	vor.u32 s8, v3;
	_ =	sdelay $0x3  }
0xa8: {  	v4 =	vld.idx.msk [tilespmem:v4+s18+$0x0], $0xffff  }
0xa9: {  	v5 =	vld.idx.msk [tilespmem:v5+s28+$0x0], $0xffff;
	_ =	sdelay $0x1  }
0xaa: {  	s11 =	simm.s32 $0x1  }
0xab: {  	v6 =	vor.u32 s11, v2  }
0xac: {  	v7 =	vor.u32 s11, v3  }
0xad: {  	v4 =	vadd.f32 v5, v4;
	_ =	sdelay $0x1  }
0xae: {  	[tilespmem:s9+$0xFFFFFFD0] =	vst v4  }
0xaf: {  	v5 =	vld.idx.msk [tilespmem:v6+s18+$0x0], $0xffff  }
0xb0: {  	v6 =	vld.idx.msk [tilespmem:v7+s28+$0x0], $0xffff;
	_ =	sdelay $0x1  }
0xb1: {  	s14 =	simm.s32 $0x2  }
0xb2: {  	v7 =	vor.u32 s14, v2  }
0xb3: {  	v8 =	vor.u32 s14, v3  }
0xb4: {  	v5 =	vadd.f32 v6, v5;
	_ =	sdelay $0x1  }
0xb5: {  	[tilespmem:s9+$0xFFFFFFE0] =	vst v5  }
0xb6: {  	v6 =	vld.idx.msk [tilespmem:v7+s18+$0x0], $0xffff  }
0xb7: {  	v7 =	vld.idx.msk [tilespmem:v8+s28+$0x0], $0xffff;
	_ =	sdelay $0x1  }
0xb8: {  	s29 =	simm.s32 $0x3  }
0xb9: {  	v8 =	vor.u32 s29, v2  }
0xba: {  	v9 =	vor.u32 s29, v3  }
0xbb: {  	v6 =	vadd.f32 v7, v6;
	_ =	sdelay $0x1  }
0xbc: {  	[tilespmem:s9+$0xFFFFFFF0] =	vst v6  }
0xbd: {  	v10 =	vmul.f32 v4, v4;
	v7 =	vimm.f32 $0.0e+00;
	v11 =	vld.idx.msk [tilespmem:v8+s18+$0x0], $0xffff  }
0xbe: {  	v4 =	vadd.f32 v4, v7;
	v9 =	vld.idx.msk [tilespmem:v9+s28+$0x0], $0xffff  }
0xbf: {  	v7 =	vadd.f32 v10, v7;
	v8 =	vmul.f32 v5, v5  }
0xc0: {  	v4 =	vadd.f32 v5, v4  }
0xc1: {  	s14 =	simm.s32 $0x4;
	v10 =	vmul.f32 v6, v6;
	v12 =	vadd.f32 v8, v7  }
0xc2: {  	v7 =	vor.u32 s14, v2;
	v5 =	vadd.f32 v6, v4  }
0xc3: {  	s7 =	simm.s32 $0x8;
	s3 =	smov.u32 s9;
	s8 =	smov.u32 s9;
	v8 =	vor.u32 s14, v3;
	v4 =	vadd.f32 v10, v12;
	v6 =	vadd.f32 v9, v11  }
.LBB2_6:
0xc4: {  	p0 =	slt.u32 s7, $0x3C  }
0xc5: {  	s3 =	sadd.s32 $0x40, s3;
	s11 =	smov.u32 s7;
	s7 =	sadd.s32 $0x4, s7  }
0xc6: {  	[tilespmem:s8+$0x0] =	vst v6;
	v5 =	vadd.f32 v6, v5;
	v6 =	vmul.f32 v6, v6;
	s8 =	smov.u32 s3  }
0xc7: {  	v7 =	vld.idx.msk [tilespmem:v7+s18+$0x0], $0xffff  }
0xc8: {  	v8 =	vld.idx.msk [tilespmem:v8+s28+$0x0], $0xffff;
	v4 =	vadd.f32 v6, v4;
	_ =	sdelay $0x2  }
0xc9: {  	s29 =	sadd.s32 $0x1, s14  }
0xca: {  	v9 =	vor.u32 s29, v3;
	v6 =	vor.u32 s29, v2;
	_ =	sdelay $0x1  }
0xcb: {  	v7 =	vadd.f32 v8, v7;
	_ =	sdelay $0x1  }
0xcc: {  	v8 =	vmul.f32 v7, v7;
	[tilespmem:s3+$0xFFFFFFD0] =	vst v7  }
0xcd: {  	v6 =	vld.idx.msk [tilespmem:v6+s18+$0x0], $0xffff  }
0xce: {  	v9 =	vld.idx.msk [tilespmem:v9+s28+$0x0], $0xffff;
	_ =	sdelay $0x2  }
0xcf: {  	s29 =	sadd.s32 $0x2, s14  }
0xd0: {  	v10 =	vor.u32 s29, v2;
	v11 =	vor.u32 s29, v3;
	_ =	sdelay $0x1  }
0xd1: {  	v6 =	vadd.f32 v9, v6;
	_ =	sdelay $0x1  }
0xd2: {  	v9 =	vmul.f32 v6, v6;
	[tilespmem:s3+$0xFFFFFFE0] =	vst v6  }
0xd3: {  	v10 =	vld.idx.msk [tilespmem:v10+s18+$0x0], $0xffff  }
0xd4: {  	v11 =	vld.idx.msk [tilespmem:v11+s28+$0x0], $0xffff;
	_ =	sdelay $0x2  }
0xd5: {  	s29 =	sadd.s32 $0x3, s14;
	s14 =	smov.u32 s11  }
0xd6: {  	v12 =	vor.u32 s29, v2;
	v13 =	vor.u32 s29, v3;
	_ =	sdelay $0x1  }
0xd7: {  	v10 =	vadd.f32 v11, v10;
	_ =	sdelay $0x1  }
0xd8: {  	v11 =	vmul.f32 v10, v10;
	[tilespmem:s3+$0xFFFFFFF0] =	vst v10  }
0xd9: {  	v12 =	vld.idx.msk [tilespmem:v12+s18+$0x0], $0xffff  }
0xda: {  	v13 =	vld.idx.msk [tilespmem:v13+s28+$0x0], $0xffff  }
0xdb: {  	v5 =	vadd.f32 v7, v5;
	v4 =	vadd.f32 v8, v4  }
.Ltmp1:
0xdc: {  	(pc) =	sbr.rel @p0 .LBB2_6-.Ltmp1, $4  }
0xdd: {  	v5 =	vadd.f32 v6, v5;
	v4 =	vadd.f32 v9, v4  }
0xde: {  	v7 =	vor.u32 s14, v2  }
0xdf: {  	v8 =	vor.u32 s14, v3;
	v5 =	vadd.f32 v10, v5;
	v4 =	vadd.f32 v11, v4  }
0xe0: {  	v6 =	vadd.f32 v13, v12  }
0xe1: {  	_ =	sdelay $0x2  }
0xe2: {  	[tilespmem:s8+$0x0] =	vst v6  }
0xe3: {  	v7 =	vld.idx.msk [tilespmem:v7+s18+$0x0], $0xffff  }
0xe4: {  	v8 =	vld.idx.msk [tilespmem:v8+s28+$0x0], $0xffff;
	_ =	sdelay $0x1  }
0xe5: {  	s7 =	sadd.s32 $0x1, s14  }
0xe6: {  	v9 =	vor.u32 s7, v2  }
0xe7: {  	v10 =	vor.u32 s7, v3  }
0xe8: {  	v7 =	vadd.f32 v8, v7  }
0xe9: {  	s3 =	sadd.s32 $0x40, s3  }
0xea: {  	[tilespmem:s3+$0xFFFFFFD0] =	vst v7  }
0xeb: {  	v8 =	vld.idx.msk [tilespmem:v9+s18+$0x0], $0xffff  }
0xec: {  	v57 =	vld.idx.msk [tilespmem:v10+s28+$0x0], $0xffff;
	_ =	sdelay $0x1  }
0xed: {  	s11 =	sadd.s32 $0x2, s14  }
0xee: {  	v58 =	vor.u32 s11, v2  }
0xef: {  	v11 =	vor.u32 s11, v3  }
0xf0: {  	v8 =	vadd.f32 v57, v8;
	_ =	sdelay $0x1  }
0xf1: {  	[tilespmem:s3+$0xFFFFFFE0] =	vst v8  }
0xf2: {  	v59 =	vld.idx.msk [tilespmem:v58+s18+$0x0], $0xffff  }
0xf3: {  	v60 =	vld.idx.msk [tilespmem:v11+s28+$0x0], $0xffff;
	_ =	sdelay $0x1  }
0xf4: {  	s29 =	sadd.s32 $0x3, s14  }
0xf5: {  	v61 =	vor.u32 s29, v2  }
0xf6: {  	v3 =	vor.u32 s29, v3  }
0xf7: {  	v9 =	vadd.f32 v60, v59;
	_ =	sdelay $0x1  }
0xf8: {  	v62 =	vmul.f32 v6, v6;
	[tilespmem:s3+$0xFFFFFFF0] =	vst v9  }
0xf9: {  	v5 =	vadd.f32 v6, v5;
	v6 =	vld.idx.msk [tilespmem:v61+s18+$0x0], $0xffff  }
0xfa: {  	v4 =	vadd.f32 v62, v4;
	v63 =	vmul.f32 v7, v7;
	v3 =	vld.idx.msk [tilespmem:v3+s28+$0x0], $0xffff  }
0xfb: {  	v5 =	vadd.f32 v7, v5  }
0xfc: {  	v4 =	vadd.f32 v63, v4;
	v7 =	vmul.f32 v8, v8  }
0xfd: {  	v5 =	vadd.f32 v8, v5  }
0xfe: {  	v4 =	vadd.f32 v7, v4  }
0xff: {  	v7 =	vmul.f32 v9, v9;
	v5 =	vadd.f32 v9, v5;
	v6 =	vadd.f32 v3, v6;
	_ =	sdelay $0x1  }
0x100: {  	v3 =	vadd.f32 v7, v4;
	v4 =	vadd.f32 v6, v5;
	v5 =	vmul.f32 v6, v6;
	_ =	sdelay $0x1  }
0x101: {  	v5 =	vadd.f32 v5, v3;
	v3 =	vmul.f32 $1.562500000e-02, v4;
	_ =	sdelay $0x1  }
0x102: {  	v4 =	vmul.f32 $1.562500000e-02, v5;
	v5 =	vmul.f32 v3, v3;
	_ =	sdelay $0x1  }
0x103: {  	v4 =	vsub.f32 v4, v5;
	_ =	sdelay $0x1  }
0x104: {  	v4 =	vadd.f32 $9.999999960e-13, v4;
	_ =	sdelay $0x1  }
0x105: {  	v5 =	vshrl.u32 v4, $0x1;
	v4 =	vmul.f32 $5.000000000e-01, v4  }
0x106: {  	v5 =	vsub.s32 $0x5F3759DF, v5  }
0x107: {  	v7 =	vmul.f32 v5, v4;
	_ =	sdelay $0x1  }
0x108: {  	v7 =	vmul.f32 v5, v7;
	_ =	sdelay $0x1  }
0x109: {  	v7 =	vsub.f32 $1.500000000e+00, v7;
	_ =	sdelay $0x1  }
0x10a: {  	v5 =	vmul.f32 v5, v7  }
0x10b: {  	s8 =	simm.s32 $0x0  }
0x10c: {  	[tilespmem:s3+$0x0] =	vst v6;
	v6 =	vmov s8;
	v4 =	vmul.f32 v5, v4  }
0x10d: {  	v7 =	vld [tilespmem:s9+$0xFFFFFFD0]  }
0x10e: {  	v8 =	vor.u32 $0x40, v6;
	v4 =	vmul.f32 v4, v5;
	_ =	sdelay $0x1  }
0x10f: {  	v4 =	vsub.f32 $1.500000000e+00, v4  }
0x110: {  	v6 =	vld.idx.msk [tilespmem:v6+s15+$0x0], $0xffff  }
0x111: {  	v4 =	vmul.f32 v4, v5;
	v5 =	vsub.f32 v7, v3  }
0x112: {  	v7 =	vld.idx.msk [tilespmem:v8+s15+$0x0], $0xffff  }
0x113: {  	v5 =	vmul.f32 v5, v4  }
0x114: {  	v8 =	vor.u32 s8, v2  }
0x115: {  	v5 =	vmul.f32 v5, v6;
	_ =	sdelay $0x1  }
0x116: {  	v5 =	vadd.f32 v5, v7  }
0x117: {  	s11 =	simm.s32 $0x1  }
0x118: {  	v6 =	vmov s11;
	[tilespmem:v8+s18+$0x0] =	vst.idx.msk $0xffff, v5  }
0x119: {  	v5 =	vld [tilespmem:s9+$0xFFFFFFE0]  }
0x11a: {  	v7 =	vor.u32 $0x40, v6;
	_ =	sdelay $0x2  }
0x11b: {  	v6 =	vld.idx.msk [tilespmem:v6+s15+$0x0], $0xffff  }
0x11c: {  	v5 =	vsub.f32 v5, v3  }
0x11d: {  	v7 =	vld.idx.msk [tilespmem:v7+s15+$0x0], $0xffff  }
0x11e: {  	v5 =	vmul.f32 v5, v4  }
0x11f: {  	v8 =	vor.u32 s11, v2  }
0x120: {  	v5 =	vmul.f32 v5, v6;
	_ =	sdelay $0x1  }
0x121: {  	v5 =	vadd.f32 v5, v7  }
0x122: {  	s14 =	simm.s32 $0x2  }
0x123: {  	v6 =	vmov s14;
	[tilespmem:v8+s18+$0x0] =	vst.idx.msk $0xffff, v5  }
0x124: {  	v5 =	vld [tilespmem:s9+$0xFFFFFFF0]  }
0x125: {  	v7 =	vor.u32 $0x40, v6;
	_ =	sdelay $0x2  }
0x126: {  	v6 =	vld.idx.msk [tilespmem:v6+s15+$0x0], $0xffff  }
0x127: {  	v5 =	vsub.f32 v5, v3  }
0x128: {  	v7 =	vld.idx.msk [tilespmem:v7+s15+$0x0], $0xffff  }
0x129: {  	v5 =	vmul.f32 v5, v4  }
0x12a: {  	v8 =	vor.u32 s14, v2  }
0x12b: {  	v5 =	vmul.f32 v5, v6;
	_ =	sdelay $0x1  }
0x12c: {  	v5 =	vadd.f32 v5, v7  }
0x12d: {  	s29 =	simm.s32 $0x3  }
0x12e: {  	v6 =	vmov s29;
	[tilespmem:v8+s18+$0x0] =	vst.idx.msk $0xffff, v5  }
0x12f: {  	v5 =	vld [tilespmem:s9+$0x0];
	_ =	sdelay $0x1  }
0x130: {  	v7 =	vor.u32 $0x40, v6;
	_ =	sdelay $0x1  }
0x131: {  	v6 =	vld.idx.msk [tilespmem:v6+s15+$0x0], $0xffff  }
0x132: {  	v5 =	vsub.f32 v5, v3;
	_ =	sdelay $0x1  }
0x133: {  	v7 =	vld.idx.msk [tilespmem:v7+s15+$0x0], $0xffff;
	v5 =	vmul.f32 v5, v4;
	_ =	sdelay $0x1  }
0x134: {  	v5 =	vmul.f32 v5, v6;
	v6 =	vor.u32 s29, v2;
	_ =	sdelay $0x1  }
0x135: {  	s14 =	simm.s32 $0x4  }
0x136: {  	s7 =	simm.s32 $0x8;
	s3 =	smov.u32 s9;
	v7 =	vadd.f32 v5, v7;
	v5 =	vmov s14  }
.LBB2_8:
0x137: {  	p0 =	slt.u32 s7, $0x3C  }
0x138: {  	[tilespmem:v6+s18+$0x0] =	vst.idx.msk $0xffff, v7;
	s3 =	sadd.s32 $0x40, s3;
	s8 =	smov.u32 s7;
	s7 =	sadd.s32 $0x4, s7  }
0x139: {  	v7 =	vor.u32 $0x40, v5;
	v6 =	vld [tilespmem:s3+$0xFFFFFFD0];
	_ =	sdelay $0x2  }
0x13a: {  	v5 =	vld.idx.msk [tilespmem:v5+s15+$0x0], $0xffff;
	_ =	sdelay $0x1  }
0x13b: {  	v7 =	vld.idx.msk [tilespmem:v7+s15+$0x0], $0xffff;
	v6 =	vsub.f32 v6, v3;
	_ =	sdelay $0x1  }
0x13c: {  	v6 =	vmul.f32 v6, v4  }
0x13d: {  	v8 =	vor.u32 s14, v2  }
0x13e: {  	v5 =	vmul.f32 v6, v5;
	_ =	sdelay $0x1  }
0x13f: {  	s11 =	sadd.s32 $0x1, s14;
	v5 =	vadd.f32 v5, v7  }
0x140: {  	v6 =	vmov s11  }
0x141: {  	[tilespmem:v8+s18+$0x0] =	vst.idx.msk $0xffff, v5  }
0x142: {  	v7 =	vor.u32 $0x40, v6;
	v5 =	vld [tilespmem:s3+$0xFFFFFFE0];
	_ =	sdelay $0x2  }
0x143: {  	v6 =	vld.idx.msk [tilespmem:v6+s15+$0x0], $0xffff;
	_ =	sdelay $0x1  }
0x144: {  	v7 =	vld.idx.msk [tilespmem:v7+s15+$0x0], $0xffff;
	v5 =	vsub.f32 v5, v3;
	_ =	sdelay $0x1  }
0x145: {  	v5 =	vmul.f32 v5, v4  }
0x146: {  	v8 =	vor.u32 s11, v2  }
0x147: {  	v5 =	vmul.f32 v5, v6;
	_ =	sdelay $0x1  }
0x148: {  	s11 =	sadd.s32 $0x2, s14;
	v5 =	vadd.f32 v5, v7  }
0x149: {  	v6 =	vmov s11  }
0x14a: {  	[tilespmem:v8+s18+$0x0] =	vst.idx.msk $0xffff, v5  }
0x14b: {  	v7 =	vor.u32 $0x40, v6;
	v5 =	vld [tilespmem:s3+$0xFFFFFFF0];
	_ =	sdelay $0x2  }
0x14c: {  	v6 =	vld.idx.msk [tilespmem:v6+s15+$0x0], $0xffff;
	_ =	sdelay $0x1  }
0x14d: {  	v7 =	vld.idx.msk [tilespmem:v7+s15+$0x0], $0xffff;
	v5 =	vsub.f32 v5, v3;
	_ =	sdelay $0x1  }
0x14e: {  	v5 =	vmul.f32 v5, v4  }
0x14f: {  	v8 =	vor.u32 s11, v2  }
0x150: {  	s11 =	sadd.s32 $0x3, s14;
	s14 =	smov.u32 s8;
	v5 =	vmul.f32 v5, v6  }
0x151: {  	v6 =	vmov s11  }
0x152: {  	v5 =	vadd.f32 v5, v7;
	v7 =	vor.u32 $0x40, v6;
	_ =	sdelay $0x1  }
0x153: {  	[tilespmem:v8+s18+$0x0] =	vst.idx.msk $0xffff, v5  }
0x154: {  	v5 =	vld [tilespmem:s3+$0x0]  }
0x155: {  	v8 =	vld.idx.msk [tilespmem:v6+s15+$0x0], $0xffff  }
0x156: {  	v7 =	vld.idx.msk [tilespmem:v7+s15+$0x0], $0xffff;
	_ =	sdelay $0x2  }
0x157: {  	v5 =	vsub.f32 v5, v3;
	_ =	sdelay $0x1  }
0x158: {  	v5 =	vmul.f32 v5, v4  }
.Ltmp2:
0x159: {  	v6 =	vor.u32 s11, v2;
	(pc) =	sbr.rel @p0 .LBB2_8-.Ltmp2, $3  }
0x15a: {  	v5 =	vmul.f32 v5, v8;
	_ =	sdelay $0x1  }
0x15b: {  	v7 =	vadd.f32 v5, v7  }
0x15c: {  	v5 =	vmov s14  }
0x15d: {  	_ =	sdelay $0x3  }
0x15e: {  	[tilespmem:v6+s18+$0x0] =	vst.idx.msk $0xffff, v7;
	s3 =	sadd.s32 $0x40, s3  }
0x15f: {  	v6 =	vld [tilespmem:s3+$0xFFFFFFD0]  }
0x160: {  	v53 =	vor.u32 $0x40, v5;
	_ =	sdelay $0x2  }
0x161: {  	v54 =	vld.idx.msk [tilespmem:v5+s15+$0x0], $0xffff  }
0x162: {  	v6 =	vsub.f32 v6, v3  }
0x163: {  	v7 =	vld.idx.msk [tilespmem:v53+s15+$0x0], $0xffff  }
0x164: {  	v6 =	vmul.f32 v6, v4  }
0x165: {  	v8 =	vor.u32 s14, v2  }
0x166: {  	v5 =	vmul.f32 v6, v54;
	_ =	sdelay $0x1  }
0x167: {  	v5 =	vadd.f32 v5, v7  }
0x168: {  	s7 =	sadd.s32 $0x1, s14  }
0x169: {  	v55 =	vmov s7;
	[tilespmem:v8+s18+$0x0] =	vst.idx.msk $0xffff, v5  }
0x16a: {  	v5 =	vld [tilespmem:s3+$0xFFFFFFE0]  }
0x16b: {  	v56 =	vor.u32 $0x40, v55;
	_ =	sdelay $0x2  }
0x16c: {  	v6 =	vld.idx.msk [tilespmem:v55+s15+$0x0], $0xffff  }
0x16d: {  	v5 =	vsub.f32 v5, v3  }
0x16e: {  	v7 =	vld.idx.msk [tilespmem:v56+s15+$0x0], $0xffff  }
0x16f: {  	v5 =	vmul.f32 v5, v4  }
0x170: {  	v57 =	vor.u32 s7, v2  }
0x171: {  	v5 =	vmul.f32 v5, v6;
	_ =	sdelay $0x1  }
0x172: {  	v5 =	vadd.f32 v5, v7  }
0x173: {  	s11 =	sadd.s32 $0x2, s14  }
0x174: {  	v58 =	vmov s11;
	[tilespmem:v57+s18+$0x0] =	vst.idx.msk $0xffff, v5  }
0x175: {  	v5 =	vld [tilespmem:s3+$0xFFFFFFF0]  }
0x176: {  	v59 =	vor.u32 $0x40, v58;
	_ =	sdelay $0x2  }
0x177: {  	v6 =	vld.idx.msk [tilespmem:v58+s15+$0x0], $0xffff  }
0x178: {  	v5 =	vsub.f32 v5, v3  }
0x179: {  	v7 =	vld.idx.msk [tilespmem:v59+s15+$0x0], $0xffff  }
0x17a: {  	v5 =	vmul.f32 v5, v4  }
0x17b: {  	v60 =	vor.u32 s11, v2  }
0x17c: {  	v5 =	vmul.f32 v5, v6;
	_ =	sdelay $0x1  }
0x17d: {  	v5 =	vadd.f32 v5, v7  }
0x17e: {  	s29 =	sadd.s32 $0x3, s14  }
0x17f: {  	v61 =	vmov s29;
	[tilespmem:v60+s18+$0x0] =	vst.idx.msk $0xffff, v5  }
0x180: {  	v5 =	vld [tilespmem:s3+$0x0]  }
0x181: {  	v62 =	vor.u32 $0x40, v61;
	_ =	sdelay $0x2  }
0x182: {  	v6 =	vld.idx.msk [tilespmem:v61+s15+$0x0], $0xffff  }
0x183: {  	v3 =	vsub.f32 v5, v3  }
0x184: {  	v63 =	vld.idx.msk [tilespmem:v62+s15+$0x0], $0xffff  }
0x185: {  	s12 =	sadd.s32 $0x1, s12;
	v3 =	vmul.f32 v3, v4  }
0x186: {  	v2 =	vor.u32 s29, v2;
	p0 =	sne.s32 s12, $0x28  }
.Ltmp3:
0x187: {  	v3 =	vmul.f32 v3, v6;
	(pc) =	sbr.rel @p0 .LBB2_5-.Ltmp3, $3  }
0x188: {  	_ = 	snop  }
0x189: {  	v3 =	vadd.f32 v3, v63;
	_ =	sdelay $0x1  }
0x18a: {  	s9 =	sadd.s32 $0x400, s9;
	[tilespmem:v2+s18+$0x0] =	vst.idx.msk $0xffff, v3  }
0x18b: {  	s31 =	sadd.s32 $0x1, s31  }
0x18c: {  	s0 =	sshll.u32 s0, $0x3;
	p0 =	sne.s32 s31, $0xA  }
.Ltmp4:
0x18d: {  	s0 =	sadd.s32 s1, s0;
	(pc) =	sbr.rel @p0 .LBB2_4-.Ltmp4, $4  }
0x18e: {  	[hbm4b:s0+s2] =	stream.linear.scatter [tilespmem:s18], [sflag:$0x2], $0xA000, $0x38;
	[tilespmem:$0x1DC00] =	vst v63  }
0x18f: {  	_ =	swait.ge [sflag:s13], $0xA000  }
0x190: {  	[sflag:s13] =	ssyncset.done $0x0  }
0x191: {  	[sflag:s13] =	ssyncadd.s32 $0xFFFF6000  }
0x192: {  	s3 =	rddreg [dreg:$0x7]  }
0x193: {  	s0 =	rddreg [dreg:$0x6];
	s3 =	sadd.s32 $0x1, s3  }
0x194: {  	p0 =	sne.s32 s3, s0  }
.Ltmp5:
0x195: {  	_ = 	snop;
	(pc) =	sbr.rel @p0 .LBB2_1-.Ltmp5, $1  }
0x196: {  	_ =	sdelay $0x3  }
0x197: {  	_ =	sfence.sel $0x180000  }
0x198: {  	[bflag:$0x0] =	sbarrier.arrive $0xFFFF  }
0x199: {  	_ =	strace $0x90000047  }
0x19a: {  	s0 =	stileid.u32;
	[bflag:$0x2] =	sbarrier.arrive $0xFFFF  }
0x19b: {  	p0 =	sne.s32 s0, $0x0;
	s0 =	rddreg [dreg:$0x2]  }
0x19c: {  	s0 =	sadd.s32 @!p0 $0x100000, s0  }
0x19d: {  	[sflag:s0] =	ssyncadd.tile.s32 @!p0 $0x1;
	_ =	shalt  }
.Lfunc_end2:
_tile_overlayer_lowered:
.L_overlay_start_2:
0x19e: {  	(tag) =	ssettag $0x2  }
0x19f: {  	s0 =	rddreg [dreg:$0x0];
	s2 =	stileid.u32  }
0x1a0: {  	s1 =	rddreg [dreg:$0x1];
	p0 =	sne.s32 s2, $0x0  }
0x1a1: {  	s3 =	rddreg [dreg:$0x2];
	[bflag:$0x3] =	sbarrier.arrive $0xFFFF;
	s2 =	simm.s32 @!p0 $0x1C02  }
0x1a2: {  	[timem:s3], [sflag:s2] =	dma.local @!p0 [hbm:s0], s1  }
0x1a3: {  	s0 =	simm.s32 @!p0 $0x2  }
0x1a4: {  	_ =	swait.ge @!p0 [sflag:s0], s1  }
0x1a5: {  	s1 =	ssub.s32 @!p0 $0x0, s1;
	[sflag:s0] =	ssyncset.done @!p0 $0x0  }
0x1a6: {  	[sflag:s0] =	ssyncadd.s32 @!p0 s1  }
0x1a7: {  	[bflag:$0x3] =	sbarrier.arrive $0xFFFF  }
0x1a8: {  	_ =	shalt  }

// kernel: sparse-core-data-format-call.cloned.1.call-start
scs
called_computation_lowered:
.L_overlay_start_0:
0x0: {  	s2 =	sld [smem:$0x3FD9]  }
0x1: {  	s3 =	sld [smem:$0x3FFE];
	_ =	sdelay $0x1  }
0x2: {  	s1 =	srdreg.scid  }
0x3: {  	s0 =	sand.u32 $0x1, s1  }
0x4: {  	s18 =	sshll.u32 s0, $0xA;
	s2 =	sadd.s32 s3, s2  }
0x5: {  	s2 =	sadd.s32 s2, s18  }
0x6: {  	[smem:$0x3FC1] =	sst s2  }
0x7: {  	_ = 	snop  }
0x8: {  	s2 =	sld [smem:$0x3FD0];
	(tm) =	ssettm $0x1  }
0x9: {  	s19 =	sld [smem:$0x3FFB];
	_ =	sdelay $0x3  }
0xa: {  	_ =	strace s19  }
0xb: {  	s3 =	sld [smem:$0x3FFC];
	_ =	sdelay $0x3  }
0xc: {  	_ =	strace s3  }
0xd: {  	s3 =	sld [smem:$0x3FFD];
	_ =	sdelay $0x3  }
0xe: {  	_ =	strace s3  }
0xf: {  	_ =	strace $0x8FFFFFFF  }
0x10: {  	s20 =	sld [smem:$0x3FDB];
	_ =	sdelay $0x1  }
0x11: {  	s4 =	simm.s32 $_scs_section_size  }
0x12: {  	s5 =	simm.s32 $_size__tile_overlayer_lowered;
	s6 =	simm.s32 $_tile_overlayer_lowered  }
0x13: {  	s23 =	simm.s32 $0x1BFF;
	s22 =	sshll.u32 s6, $0x1;
	s3 =	sadd.s32 s4, s20  }
0x14: {  	s7 =	simm.s32 $0x0;
	s21 =	sshll.u32 s5, $0x1;
	s5 =	sadd.s32 s22, s3  }
0x15: {  	[timem:s7], [sflag:s23] =	dma.local [hbm:s5], s21  }
0x16: {  	_ =	swait.ge [sflag:s23], s21  }
0x17: {  	s4 =	ssub.s32 $0x0, s21;
	[sflag:s23] =	ssyncset.done $0x0  }
0x18: {  	[sflag:s23] =	ssyncadd.s32 s4;
	_ =	sdelay $0x1  }
0x19: {  	s24 =	simm.s32 $0x1B8B  }
0x1a: {  	_ =	swait.ge [sflag:s24], $0x1  }
0x1b: {  	[sflag:s24] =	ssyncset.done $0x0  }
0x1c: {  	s26 =	simm.s32 $0x1B8E;
	s25 =	sld [smem:$0x3FFE];
	[sflag:s24] =	ssyncadd.s32 $0xFFFFFFFF  }
0x1d: {  	s27 =	simm.s32 $execute0_lowered;
	[smem:$0x3FD2] =	sst s26  }
0x1e: {  	s5 =	sshll.u32 s27, $0x1;
	_ =	strace $0x80000049;
	[dreg:$0x1] =	wrdreg $0xFFFFFFFF  }
0x1f: {  	s28 =	simm.s32 $_size_execute0_lowered;
	s3 =	sadd.s32 s3, s5;
	[dreg:$0x0] =	wrdreg $0x0  }
0x20: {  	s5 =	sshll.u32 s28, $0x1;
	[dreg:$0x2] =	wrdreg s3  }
0x21: {  	[dreg:$0x3] =	wrdreg s5  }
0x22: {  	[dreg:$0x4] =	wrdreg $0xC0  }
0x23: {  	_ =	task [dreg:s7], $0x5FFFF  }
0x24: {  	[dreg:$0x1] =	wrdreg $0xFFFFFFFF  }
0x25: {  	[dreg:$0x0] =	wrdreg $0x60  }
0x26: {  	[dreg:$0x2] =	wrdreg s25  }
0x27: {  	[dreg:$0x3] =	wrdreg s2  }
0x28: {  	[dreg:$0x4] =	wrdreg $0x9  }
0x29: {  	_ =	task.clear_ibuf [dreg:s7], $0x5FFFF;
	_ =	strace $0x90000049  }
0x2a: {  	s29 =	simm.s32 $0x9;
	_ =	strace $0x8000004B  }
0x2b: {  	_ =	swait.ge [sflag:s29], $0x1  }
0x2c: {  	[sflag:s29] =	ssyncadd.s32 $0xFFFFFFFF  }
0x2d: {  	_ =	strace $0x9000004B  }
0x2e: {  	_ =	sfence  }
0x2f: {  	s30 =	sld [smem:$0x0];
	_ =	sdelay $0x2  }
0x30: {  	s31 =	sshll.u32 s1, $0xD;
	s1 =	sshrl.u32 s1, $0x2  }
0x31: {  	s3 =	sand.u32 $0x4000, s31;
	s1 =	sadd.s32 s1, s30  }
0x32: {  	s0 =	sor.u32 s3, s0;
	s1 =	sshll.u32 s1, $0x11  }
0x33: {  	s0 =	sor.u32 s1, s0  }
0x34: {  	s0 =	sadd.s32 $0x8F2B, s0  }
0x35: {  	[sflag:s0] =	ssyncadd.remote.s32 $0x1  }
0x36: {  	_ =	sfence.sel $0xFFFF  }
0x37: {  	[dreg:$0x0] =	wrdreg $0xFFFFFFFF;
	(pc) =	sbr.abs _section_cstart, $3  }
0x38: {  	[dreg:$0x1] =	wrdreg $0xFFFFFFFF  }
0x39: {  	_ =	task.clear_ibuf [dreg:s7], $0x2FFFF;
	_ =	strace $0x9FFFFFFF  }
0x3a: {  	(tm) =	ssettm $0x7FFFFFFF  }
0x3b: {  	_ =	shalt  }
tec
execute0_lowered:
.L_overlay_start_1:
0x0: {  	(tag) =	ssettag $0x1  }
0x1: {  	s0 =	stileid.u32;
	s6 =	rddreg [dreg:$0x0]  }
0x2: {  	s2 =	rddreg [dreg:$0x1];
	s5 =	srdreg.scid  }
0x3: {  	s31 =	simm.s32 $0x2;
	s13 =	simm.s32 $0x0;
	s1 =	sshll.u32 s0, $0x7  }
0x4: {  	s14 =	simm.s32 $0x0;
	s12 =	simm.s32 $0x0;
	s3 =	sand.u32 $0x380, s1  }
0x5: {  	s5 =	sshll.u32 s5, $0x4;
	s6 =	sadd.s32 $0x1400, s6;
	s4 =	ssub.s32 $0x400, s3  }
0x6: {  	s1 =	rddreg [dreg:$0x2];
	_ =	strace $0x8000004A;
	s7 =	sand.u32 $0x380, s4  }
0x7: {  	s5 =	sand.u32 $0x10, s5;
	p0 =	sne.s32 s7, $0x0;
	s7 =	simm.s32 $0x1  }
.Ltmp0:
0x8: {  	s8 =	sshrl.u32 s4, $0xA;
	s7 =	simm.s32 @!p0 $0x0;
	(pc) =	sbr.rel .LBB1_1-.Ltmp0, $4  }
0x9: {  	s9 =	sor.u32 s0, s5;
	s4 =	simm.s32 $0x1;
	s30 =	sadd.s32 s7, s8  }
0xa: {  	s11 =	smov.u32 s3;
	[sflag:s4] =	ssyncpa.u1 $0x0;
	s5 =	smul.u32 $0x32, s30  }
0xb: {  	[sflag:s31] =	ssyncpa.u1 $0x0;
	p0 =	por $0x0, $0x0;
	s7 =	sshrl.u32 s9, $0x3  }
0xc: {  	s9 =	simm.s32 $0x2000;
	s10 =	smov.u32 s7;
	s8 =	sor.u32 $0x1, s5  }
.LBB1_4:
0xd: {  	s17 =	sand.u32 $0x1F80, s14;
	s13 =	sshll.u32 s13, $0xD  }
0xe: {  	[tilespmem:s16+$0x810 ss:$0x81] =	vst.msk $0xffff, v2;
	s18 =	sshrl.u32 s14, $0x3;
	s31 =	sand.u32 $0x7, s14;
	s17 =	sadd.s32 s2, s17  }
0xf: {  	[tilespmem:s16+$0x1020 ss:$0x81] =	vst.msk $0xffff, v0;
	s18 =	sand.u32 $0xF, s18;
	s14 =	sshll.u32 s31, $0x12;
	s13 =	sadd.s32 s13, s17  }
0x10: {  	[tilespmem:s16+$0x0 ss:$0x81] =	vst.msk $0xffff, v1;
	s14 =	sor.u32 $0x400, s14;
	s13 =	sadd.s32 s18, s13  }
0x11: {  	[hbm4b:s13+s14] =	stream.strided.scatter [tilespmem:s15], [sflag:$0x2], $0x2000, s9, s14, $0x20;
	[tilespmem:$0x8080] =	vst v63  }
.LBB1_5:
0x12: {  	s15 =	sadd.s32 $0x4, s10  }
0x13: {  	s13 =	sadd.s32 $0x400, s11;
	s17 =	smov.u32 s11;
	p2 =	sgt.s32 s15, $0xC7  }
0x14: {  	s17 =	smov.u32 @p2 s13  }
0x15: {  	s15 =	smov.u32 @p2 s7;
	p2 =	sgt.s32 s17, $0x3FF  }
0x16: {  	s17 =	smov.u32 @p2 s3;
	p2 =	sne.s32 s12, s8  }
.Ltmp1:
0x17: {  	p1 =	slt.u32 s12, $0x2;
	(pc) =	sbr.rel @!p2 .LBB1_6-.Ltmp1, $4  }
0x18: {  	s16 =	simm.s32 @!p1 $0x2  }
0x19: {  	s14 =	smov.u32 s11;
	p0 =	por !p0, !p0;
	_ =	swait.ge @!p1 [sflag:s16], $0x2000  }
0x1a: {  	s13 =	smov.u32 s10;
	[sflag:s16] =	ssyncset.done @!p1 $0x0;
	s10 =	smov.u32 s15  }
0x1b: {  	s12 =	sadd.s32 $0x1, s12;
	[sflag:s16] =	ssyncadd.s32 @!p1 $0xFFFFE000;
	s11 =	smov.u32 s17  }
.LBB1_1:
0x1c: {  	p1 =	sge.u32 s12, s5  }
0x1d: {  	s15 =	sand.u32 @!p1 $0x1FFFFFF, s10  }
0x1e: {  	s16 =	smulhi.u32 @!p1 $0x147AE15, s15;
	_ =	sdelay $0x1  }
0x1f: {  	s16 =	smul.u32 @!p1 $0xC8, s16  }
0x20: {  	s17 =	sxor.u32 @!p1 $0xFFFFFFFF, s12;
	s18 =	smul.u32 @!p1 $0xC80, s11  }
0x21: {  	s31 =	sadd.s32 $0xFFFFFFFF, s12;
	s17 =	sshll.u32 @!p1 s17, $0xD;
	s15 =	ssub.s32 @!p1 s15, s16  }
0x22: {  	s16 =	sand.u32 @!p1 $0x2000, s17;
	s17 =	sadd.s32 @!p1 s6, s18;
	s15 =	sshll.u32 @!p1 s15, $0x4  }
0x23: {  	s18 =	simm.s32 @!p1 $0x6400;
	s15 =	sadd.s32 @!p1 s15, s17;
	s17 =	simm.s32 @!p1 $0x40  }
0x24: {  	[tilespmem:s16], [sflag:$0x1] =	stream.strided.gather @!p1 [hbm4b:s15+s17], $0x2000, s18, s17, $0x38;
	[tilespmem:$0x8080] =	vst v63  }
0x25: {  	p1 =	sge.u32 s31, s5  }
.Ltmp2:
0x26: {  	_ = 	snop;
	(pc) =	sbr.rel @p1 .LBB1_5-.Ltmp2, $1  }
0x27: {  	_ =	sdelay $0x3  }
0x28: {  	s15 =	simm.s32 $0x1  }
0x29: {  	_ =	swait.ge [sflag:s4], $0x2000;
	s15 =	simm.s32 @!p0 $0x0  }
0x2a: {  	[sflag:s4] =	ssyncset.done $0x0;
	s16 =	sshll.u32 s15, $0xD  }
0x2b: {  	[sflag:s4] =	ssyncadd.s32 $0xFFFFE000;
	s19 =	sor.u32 $0x20, s16  }
0x2c: {  	s15 =	smul.u32 $0x8100, s15;
	v3 =	vld [tilespmem:s19+$0x10]  }
0x2d: {  	s30 =	sand.u32 $0x1, s12;
	v2 =	vld [tilespmem:s19+$0xFFFFFFF0]  }
0x2e: {  	s16 =	smul.u32 $0x8100, s30;
	s15 =	sshrl.u32 s15, $0x2;
	v0 =	vld [tilespmem:s19+$0x0]  }
0x2f: {  	v1 =	vld [tilespmem:s19+$0xFFFFFFE0];
	s17 =	sor.u32 $0x4000, s15  }
0x30: {  	s31 =	sshrl.u32 s16, $0x2;
	s16 =	sadd.s32 $0x0, s17  }
0x31: {  	s18 =	simm.s32 $0x4;
	s19 =	sadd.s32 $0x40, s19;
	s15 =	sor.u32 $0x4000, s31;
	[tilespmem:s16+$0x1830 ss:$0x81] =	vst.msk $0xffff, v3  }
.LBB1_3:
0x32: {  	v3 =	vld [tilespmem:s19+$0x10];
	p1 =	sne.s32 s18, $0x1FC;
	[tilespmem:s16+$0x810 ss:$0x81] =	vst.msk $0xffff, v2;
	s20 =	smov.u32 s18;
	s18 =	sadd.s32 $0x4, s18  }
.Ltmp3:
0x33: {  	v2 =	vld [tilespmem:s19+$0xFFFFFFF0];
	[tilespmem:s16+$0x1020 ss:$0x81] =	vst.msk $0xffff, v0;
	(pc) =	sbr.rel @p1 .LBB1_3-.Ltmp3, $4  }
0x34: {  	v0 =	vld [tilespmem:s19+$0x0];
	[tilespmem:s16+$0x0 ss:$0x81] =	vst.msk $0xffff, v1  }
0x35: {  	s16 =	sshra.s32 s20, $0x2;
	v1 =	vld [tilespmem:s19+$0xFFFFFFE0]  }
0x36: {  	s16 =	sadd.s32 s16, s17  }
0x37: {  	s19 =	sadd.s32 $0x40, s19;
	[tilespmem:s16+$0x1830 ss:$0x81] =	vst.msk $0xffff, v3  }
.Ltmp4:
0x38: {  	_ = 	snop;
	(pc) =	sbr.rel .LBB1_4-.Ltmp4, $1  }
0x39: {  	_ =	sdelay $0x3  }
.LBB1_6:
0x3a: {  	_ =	sfence.sel $0x180000  }
0x3b: {  	s2 =	simm.s32 $0x1;
	[bflag:$0x0] =	sbarrier.arrive $0xFFFF  }
0x3c: {  	s31 =	simm.s32 $0x2;
	[sflag:s2] =	ssyncpa.u1 $0x1  }
0x3d: {  	[sflag:s31] =	ssyncpa.u1 $0x1  }
0x3e: {  	p0 =	sne.s32 s0, $0x0;
	_ =	strace $0x9000004A  }
0x3f: {  	s0 =	sadd.s32 @!p0 $0x100000, s1;
	[bflag:$0x2] =	sbarrier.arrive $0xFFFF  }
0x40: {  	[sflag:s0] =	ssyncadd.tile.s32 @!p0 $0x1;
	_ =	shalt  }
.Lfunc_end1:
_tile_overlayer_lowered:
.L_overlay_start_2:
0x41: {  	(tag) =	ssettag $0x2  }
0x42: {  	s0 =	rddreg [dreg:$0x0];
	s2 =	stileid.u32  }
0x43: {  	s1 =	rddreg [dreg:$0x1];
	p0 =	sne.s32 s2, $0x0  }
0x44: {  	s3 =	rddreg [dreg:$0x2];
	[bflag:$0x3] =	sbarrier.arrive $0xFFFF;
	s2 =	simm.s32 @!p0 $0x1C01  }
0x45: {  	[timem:s3], [sflag:s2] =	dma.local @!p0 [hbm:s0], s1  }
0x46: {  	s0 =	simm.s32 @!p0 $0x1  }
0x47: {  	_ =	swait.ge @!p0 [sflag:s0], s1  }
0x48: {  	s1 =	ssub.s32 @!p0 $0x0, s1;
	[sflag:s0] =	ssyncset.done @!p0 $0x0  }
0x49: {  	[sflag:s0] =	ssyncadd.s32 @!p0 s1  }
0x4a: {  	[bflag:$0x3] =	sbarrier.arrive $0xFFFF  }
0x4b: {  	_ =	shalt  }

</sc_bundles>
